<compile_context>
chip_gen: v7x
topology: tpu7x:2x2x1
jax: 0.10.2.dev20260603
libtpu: 0.0.44.dev20260713+nightly
codegen_flags: <defaults>
</compile_context>

<pallas_src>
import jax
import jax.numpy as jnp
from jax.experimental import pallas as pl
from jax.experimental.pallas import tpu as pltpu
from jax.experimental.pallas import tpu_sc as plsc

_B, _MAX_LEN, _SRC_LEN = 8, 64, 128
_N1, _N2 = 50, 10
_NT = _N1 * _N2
_NTP = 512
_VOCAB = 50000
_T_EMBED, _HIDDEN, _HEADS = 300, 768, 8
_DK = _HIDDEN // _HEADS
_BM = _B * _MAX_LEN

_VT = 2048
_NVT = (_VOCAB + _VT - 1) // _VT
_BF = jnp.bfloat16


_NW = 32
_GE = 2 * _B * _NTP
_GR = _B * _NTP
_EPW = _GE // _NW
_RPW = _GR // _NW
_DP = 384


def _sc_gather_body(ent_ref, rel_ref, eidx_ref, ridx_ref, eout_ref, rout_ref,
                    eidx_v, ridx_v, rows_v, sem):
    wid = jax.lax.axis_index("s") * 2 + jax.lax.axis_index("c")
    pltpu.sync_copy(eidx_ref.at[pl.ds(wid * 2, 2)], eidx_v)
    pltpu.sync_copy(ridx_ref.at[pl.ds(wid, 1)], ridx_v)
    for j in range(2):
        pltpu.async_copy(ent_ref.at[eidx_v.at[j]], rows_v, sem).wait()
        pltpu.sync_copy(rows_v, eout_ref.at[pl.ds(wid * _EPW + j * 128, 128)])
    pltpu.async_copy(rel_ref.at[ridx_v.at[0]], rows_v, sem).wait()
    pltpu.sync_copy(rows_v, rout_ref.at[pl.ds(wid * _RPW, _RPW)])


def _pad_kernel(e_ref, o_ref):
    r = e_ref.shape[0]
    o_ref[...] = jnp.concatenate(
        [e_ref[...], jnp.zeros((r, _DP - _T_EMBED), jnp.float32)], axis=1)


def _pad_table(table):
    rows = table.shape[0]
    rt = 2000 if rows % 2000 == 0 else rows
    return pl.pallas_call(
        _pad_kernel,
        grid=(rows // rt,),
        in_specs=[pl.BlockSpec((rt, _T_EMBED), lambda i: (i, 0))],
        out_specs=pl.BlockSpec((rt, _DP), lambda i: (i, 0)),
        out_shape=jax.ShapeDtypeStruct((rows, _DP), jnp.float32),
    )(table)


def _sc_gather(ent_p, rel_p, eidx, ridx):
    return pl.kernel(
        _sc_gather_body,
        mesh=plsc.VectorSubcoreMesh(core_axis_name="c", subcore_axis_name="s"),
        out_type=[
            jax.ShapeDtypeStruct((_GE, _DP), jnp.float32),
            jax.ShapeDtypeStruct((_GR, _DP), jnp.float32),
        ],
        scratch_types=[
            pltpu.VMEM((2, 128), jnp.int32),
            pltpu.VMEM((1, 128), jnp.int32),
            pltpu.VMEM((128, _DP), jnp.float32),
            pltpu.SemaphoreType.DMA,
        ],
    )(ent_p, rel_p, eidx, ridx)


def _prologue_kernel(he_ref, re_ref, te_ref, lhs_ref, ca_ref, wm1_ref,
                     wm2_ref, wm3_ref, bmlp_ref, wlin_ref, wli_ref, wq_ref,
                     wk_ref, wv_ref, wo_ref, wc_row_ref, bc_ref,
                     outh_ref, svc_ref, svk_ref, pcon_ref):
    t1 = (jnp.dot(he_ref[0].astype(_BF), wm1_ref[...].astype(_BF),
                  preferred_element_type=jnp.float32) +
          jnp.dot(re_ref[0].astype(_BF), wm2_ref[...].astype(_BF),
                  preferred_element_type=jnp.float32) +
          jnp.dot(te_ref[0].astype(_BF), wm3_ref[...].astype(_BF),
                  preferred_element_type=jnp.float32) +
          bmlp_ref[...])
    tri = jnp.dot(t1.astype(_BF), wlin_ref[...].astype(_BF),
                  preferred_element_type=jnp.float32)
    k = jnp.dot(tri.astype(_BF), wk_ref[...].astype(_BF),
                preferred_element_type=jnp.float32)
    v = jnp.dot(tri.astype(_BF), wv_ref[...].astype(_BF),
                preferred_element_type=jnp.float32)
    outh = jnp.dot(lhs_ref[0].astype(_BF), wli_ref[...].astype(_BF),
                   preferred_element_type=jnp.float32)
    q = jnp.dot(outh.astype(_BF), wq_ref[...].astype(_BF),
                preferred_element_type=jnp.float32)

    col = jax.lax.broadcasted_iota(jnp.int32, (_MAX_LEN, _NTP), 1)
    inv_sqrt_dk = 1.0 / jnp.sqrt(jnp.float32(_DK))
    attn_acc = jnp.zeros((_MAX_LEN, _NTP), jnp.float32)
    ctx_parts = []
    for h in range(_HEADS):
        sl = slice(h * _DK, (h + 1) * _DK)
        qh = q[:, sl].astype(_BF)
        kh = k[:, sl].astype(_BF)
        vh = v[:, sl].astype(_BF)
        s_h = jax.lax.dot_general(
            qh, kh, (((1,), (1,)), ((), ())),
            preferred_element_type=jnp.float32) * inv_sqrt_dk
        s_h = jnp.where(col < _NT, s_h, -1e30)
        m = jnp.max(s_h, axis=1, keepdims=True)
        e = jnp.exp(s_h - m)
        p_h = e / jnp.sum(e, axis=1, keepdims=True)
        attn_acc += p_h
        ctx_parts.append(jnp.dot(p_h.astype(_BF), vh,
                                 preferred_element_type=jnp.float32))
    ctx = jnp.concatenate(ctx_parts, axis=1)
    mid = jnp.dot(ctx.astype(_BF), wo_ref[...].astype(_BF),
                  preferred_element_type=jnp.float32)

    p_con = jax.nn.sigmoid(
        jnp.sum(mid * wc_row_ref[...], axis=1, keepdims=True) + bc_ref[0, 0])

    dlg = jnp.mean(ca_ref[0], axis=0)
    outh_ref[0] = outh
    svc_ref[0] = (1.0 - p_con) * dlg
    svk_ref[0] = p_con * (attn_acc / _HEADS)
    pcon_ref[0] = jnp.broadcast_to(p_con, (_MAX_LEN, 128))


def _pass1_kernel(outh_ref, wout_ref, wg_ref, lg_ref, g_ref):
    t = pl.program_id(0)

    @pl.when(t == 0)
    def _():
        g_ref[...] = jnp.zeros_like(g_ref)

    logits = jnp.dot(outh_ref[...].astype(_BF), wout_ref[...].astype(_BF),
                     preferred_element_type=jnp.float32)
    lg_ref[...] = logits.astype(_BF)
    valid = (t * _VT + jax.lax.broadcasted_iota(jnp.int32, (1, _VT), 1)) < _VOCAB
    wg = jnp.where(valid, wg_ref[...], 0.0)
    lg_m = jnp.where(valid, logits, 0.0)
    g_ref[...] += jnp.sum(lg_m * wg, axis=1, keepdims=True)


def _pass2_kernel(lg_ref, row1_ref, rowc_ref, svc_ref, idxc_ref, svk_ref,
                  idxk_ref, o_ref):
    t = pl.program_id(0)
    acc = row1_ref[...][:, :1] * lg_ref[...].astype(jnp.float32)
    rowc = rowc_ref[...][:, :1]

    vidc = t * _VT + jax.lax.broadcasted_iota(jnp.int32, (_SRC_LEN, _VT), 1)
    vidk = t * _VT + jax.lax.broadcasted_iota(jnp.int32, (_NTP, _VT), 1)
    rows = []
    for b in range(_B):
        mc = (idxc_ref[b].reshape(_SRC_LEN, 1) == vidc).astype(_BF)
        mk = (idxk_ref[b].reshape(_NTP, 1) == vidk).astype(_BF)
        cb = jnp.dot(svc_ref[b].astype(_BF), mc,
                     preferred_element_type=jnp.float32)
        kb = jnp.dot(svk_ref[b].astype(_BF), mk,
                     preferred_element_type=jnp.float32)
        rows.append(rowc[b * _MAX_LEN:(b + 1) * _MAX_LEN] * cb + kb)
    o_ref[...] = acc + jnp.concatenate(rows, axis=0)


def kernel(input_ids, kg_enc_input, cross_attn, last_hidden_state, entity_emb,
           rel_emb, W_mlp, b_mlp, W_lin, W_li, Wq, Wk, Wv, Wo, W_out, Wg, bg,
           Wc, bc):
    B, M, S, NT = _B, _MAX_LEN, _SRC_LEN, _NT
    D3 = 3 * _T_EMBED

    head = kg_enc_input[..., 0].reshape(B, NT)
    rel = kg_enc_input[..., 1].reshape(B, NT)
    tail = kg_enc_input[..., 2].reshape(B, NT)
    head_p = jnp.pad(head, ((0, 0), (0, _NTP - NT)))
    rel_p = jnp.pad(rel, ((0, 0), (0, _NTP - NT)))
    tail_p = jnp.pad(tail, ((0, 0), (0, _NTP - NT)))
    eidx = jnp.concatenate([head_p.reshape(-1), tail_p.reshape(-1)]
                           ).reshape(_GE // 128, 128)
    ridx = rel_p.reshape(_GR // 128, 128)
    ent_pad = _pad_table(entity_emb)
    rel_pad = _pad_table(rel_emb)
    eout, rout = _sc_gather(ent_pad, rel_pad, eidx, ridx)
    eout = eout.reshape(2 * B, _NTP, _DP)
    re = rout.reshape(B, _NTP, _DP)

    outh, svc, svk, pcon = pl.pallas_call(
        _prologue_kernel,
        grid=(B,),
        in_specs=[
            pl.BlockSpec((1, _NTP, _DP), lambda b: (b, 0, 0)),
            pl.BlockSpec((1, _NTP, _DP), lambda b: (b, 0, 0)),
            pl.BlockSpec((1, _NTP, _DP), lambda b: (b + _B, 0, 0)),
            pl.BlockSpec((1, M, 2 * _HIDDEN), lambda b: (b, 0, 0)),
            pl.BlockSpec((1, 12, M, S), lambda b: (b, 0, 0, 0)),
            pl.BlockSpec((_DP, D3), lambda b: (0, 0)),
            pl.BlockSpec((_DP, D3), lambda b: (0, 0)),
            pl.BlockSpec((_DP, D3), lambda b: (0, 0)),
            pl.BlockSpec((1, D3), lambda b: (0, 0)),
            pl.BlockSpec((D3, _HIDDEN), lambda b: (0, 0)),
            pl.BlockSpec((2 * _HIDDEN, _HIDDEN), lambda b: (0, 0)),
            pl.BlockSpec((_HIDDEN, _HIDDEN), lambda b: (0, 0)),
            pl.BlockSpec((_HIDDEN, _HIDDEN), lambda b: (0, 0)),
            pl.BlockSpec((_HIDDEN, _HIDDEN), lambda b: (0, 0)),
            pl.BlockSpec((_HIDDEN, _HIDDEN), lambda b: (0, 0)),
            pl.BlockSpec((1, _HIDDEN), lambda b: (0, 0)),
            pl.BlockSpec((1, 128), lambda b: (0, 0)),
        ],
        out_specs=[
            pl.BlockSpec((1, M, _HIDDEN), lambda b: (b, 0, 0)),
            pl.BlockSpec((1, M, _SRC_LEN), lambda b: (b, 0, 0)),
            pl.BlockSpec((1, M, _NTP), lambda b: (b, 0, 0)),
            pl.BlockSpec((1, M, 128), lambda b: (b, 0, 0)),
        ],
        out_shape=[
            jax.ShapeDtypeStruct((B, M, _HIDDEN), jnp.float32),
            jax.ShapeDtypeStruct((B, M, _SRC_LEN), jnp.float32),
            jax.ShapeDtypeStruct((B, M, _NTP), jnp.float32),
            jax.ShapeDtypeStruct((B, M, 128), jnp.float32),
        ],
    )(eout, re, eout, last_hidden_state, cross_attn,
      jnp.pad(W_mlp[:_T_EMBED], ((0, _DP - _T_EMBED), (0, 0))),
      jnp.pad(W_mlp[_T_EMBED:2 * _T_EMBED], ((0, _DP - _T_EMBED), (0, 0))),
      jnp.pad(W_mlp[2 * _T_EMBED:], ((0, _DP - _T_EMBED), (0, 0))),
      b_mlp.reshape(1, D3), W_lin, W_li, Wq, Wk, Wv, Wo,
      Wc.reshape(1, _HIDDEN),
      jnp.broadcast_to(bc.reshape(1, 1), (1, 128)))

    outh_flat = outh.reshape(_BM, _HIDDEN)

    lg, g = pl.pallas_call(
        _pass1_kernel,
        grid=(_NVT,),
        in_specs=[
            pl.BlockSpec((_BM, _HIDDEN), lambda t: (0, 0)),
            pl.BlockSpec((_HIDDEN, _VT), lambda t: (0, t)),
            pl.BlockSpec((1, _VT), lambda t: (0, t)),
        ],
        out_specs=[
            pl.BlockSpec((_BM, _VT), lambda t: (0, t)),
            pl.BlockSpec((_BM, 1), lambda t: (0, 0)),
        ],
        out_shape=[
            jax.ShapeDtypeStruct((_BM, _VOCAB), _BF),
            jax.ShapeDtypeStruct((_BM, 1), jnp.float32),
        ],
        compiler_params=pltpu.CompilerParams(
            dimension_semantics=("arbitrary",),
        ),
    )(outh_flat, W_out, Wg.reshape(1, _VOCAB))

    pg = jax.nn.sigmoid(g + bg)
    pc = pcon.reshape(_BM, 128)[:, :1]
    row1 = jnp.broadcast_to((1.0 - pc) * pg, (_BM, 128))
    rowc = jnp.broadcast_to(1.0 - pg, (_BM, 128))

    idxc = input_ids.reshape(B, 1, S)
    idxk = tail_p.reshape(B, 1, _NTP)

    out = pl.pallas_call(
        _pass2_kernel,
        grid=(_NVT,),
        in_specs=[
            pl.BlockSpec((_BM, _VT), lambda t: (0, t)),
            pl.BlockSpec((_BM, 128), lambda t: (0, 0)),
            pl.BlockSpec((_BM, 128), lambda t: (0, 0)),
            pl.BlockSpec((B, M, _SRC_LEN), lambda t: (0, 0, 0)),
            pl.BlockSpec((B, 1, _SRC_LEN), lambda t: (0, 0, 0)),
            pl.BlockSpec((B, M, _NTP), lambda t: (0, 0, 0)),
            pl.BlockSpec((B, 1, _NTP), lambda t: (0, 0, 0)),
        ],
        out_specs=pl.BlockSpec((_BM, _VT), lambda t: (0, t)),
        out_shape=jax.ShapeDtypeStruct((_BM, _VOCAB), jnp.float32),
        compiler_params=pltpu.CompilerParams(
            dimension_semantics=("arbitrary",),
        ),
    )(lg, row1, rowc, svc, idxc, svk, idxk)
    return out.reshape(B, M, _VOCAB)

# --- scband reference (transcript-rebuilt; emitter-appended) ---
"""Pipeline reference for scband-pointer-10230612099238 (READ-ONLY COPY).

The authoritative reference and input builder live on the scoring server;
editing this copy changes nothing except your own understanding.
"""

import jax, jax.numpy as jnp
import numpy as np

B, MAX_LEN, SRC_LEN = 8, 64, 128
N1, N2 = 50, 10
NT = N1 * N2
VOCAB, REL_VOCAB = 50000, 1000
T_EMBED, HIDDEN, HEADS = 300, 768, 8
DK = HIDDEN // HEADS


def setup_inputs(seed: int = 0):
    key = jax.random.key(seed)
    ks = [jax.random.fold_in(key, i) for i in range(32)]
    inp = {}
    inp['input_ids'] = jax.random.randint(ks[0], (B, SRC_LEN), 0, VOCAB, dtype=jnp.int32)
    inp['kg_enc_input'] = jax.random.randint(ks[1], (B, N1, N2, 3), 0, REL_VOCAB, dtype=jnp.int32)
    inp['cross_attn'] = jax.random.uniform(ks[2], (B, 12, MAX_LEN, SRC_LEN), dtype=jnp.float32)
    inp['last_hidden_state'] = jax.random.normal(ks[3], (B, MAX_LEN, 2 * HIDDEN), dtype=jnp.float32)
    inp['entity_emb'] = jax.random.normal(ks[4], (VOCAB, T_EMBED), dtype=jnp.float32) * 0.02
    inp['rel_emb'] = jax.random.normal(ks[5], (REL_VOCAB, T_EMBED), dtype=jnp.float32) * 0.02
    inp['W_mlp'] = jax.random.normal(ks[6], (3 * T_EMBED, 3 * T_EMBED), dtype=jnp.float32) * 0.02
    inp['b_mlp'] = jnp.zeros((3 * T_EMBED,), jnp.float32)
    inp['W_lin'] = jax.random.normal(ks[7], (3 * T_EMBED, HIDDEN), dtype=jnp.float32) * 0.02
    inp['W_li'] = jax.random.normal(ks[8], (2 * HIDDEN, HIDDEN), dtype=jnp.float32) * 0.02
    inp['Wq'] = jax.random.normal(ks[9], (HIDDEN, HIDDEN), dtype=jnp.float32) * 0.02
    inp['Wk'] = jax.random.normal(ks[10], (HIDDEN, HIDDEN), dtype=jnp.float32) * 0.02
    inp['Wv'] = jax.random.normal(ks[11], (HIDDEN, HIDDEN), dtype=jnp.float32) * 0.02
    inp['Wo'] = jax.random.normal(ks[12], (HIDDEN, HIDDEN), dtype=jnp.float32) * 0.02
    inp['W_out'] = jax.random.normal(ks[13], (HIDDEN, VOCAB), dtype=jnp.float32) * 0.02
    inp['Wg'] = jax.random.normal(ks[14], (VOCAB, 1), dtype=jnp.float32) * 0.02
    inp['bg'] = jnp.zeros((1,), jnp.float32)
    inp['Wc'] = jax.random.normal(ks[15], (HIDDEN, 1), dtype=jnp.float32) * 0.02
    inp['bc'] = jnp.zeros((1,), jnp.float32)
    return inp


def _forward(input_ids, kg_enc_input, cross_attn, last_hidden_state, entity_emb, rel_emb, W_mlp, b_mlp, W_lin, W_li, Wq, Wk, Wv, Wo, W_out, Wg, bg, Wc, bc):
    head = kg_enc_input[..., 0]
    rel = kg_enc_input[..., 1]
    tail = kg_enc_input[..., 2]
    head_emb = jnp.take(entity_emb, head, axis=0)
    rel_emb_v = jnp.take(rel_emb, rel, axis=0)
    tail_emb = jnp.take(entity_emb, tail, axis=0)
    triple = jnp.concatenate([head_emb, rel_emb_v, tail_emb], axis=3)
    triple = triple @ W_mlp + b_mlp
    triple = triple.reshape(B, NT, 3 * T_EMBED) @ W_lin
    dlg_attn = jnp.mean(cross_attn, axis=1)
    out_h = last_hidden_state @ W_li
    q = (out_h @ Wq).reshape(B, MAX_LEN, HEADS, DK).transpose(0, 2, 1, 3)
    k = (triple @ Wk).reshape(B, NT, HEADS, DK).transpose(0, 2, 1, 3)
    v = (triple @ Wv).reshape(B, NT, HEADS, DK).transpose(0, 2, 1, 3)
    scores = (q @ k.transpose(0, 1, 3, 2)) / jnp.sqrt(jnp.float32(DK))
    p = jax.nn.softmax(scores, axis=-1)
    ctx = (p @ v).transpose(0, 2, 1, 3).reshape(B, MAX_LEN, HIDDEN)
    mid = ctx @ Wo
    attn = jnp.mean(p, axis=1)
    logits = out_h @ W_out
    b_idx = jnp.arange(B)[:, None, None]
    m_idx = jnp.arange(MAX_LEN)[None, :, None]
    copy_index = jnp.broadcast_to(input_ids[:, None, :], (B, MAX_LEN, SRC_LEN))
    copy_logits = jnp.zeros((B, MAX_LEN, VOCAB), jnp.float32).at[b_idx, m_idx, copy_index].add(dlg_attn)
    p_gen = jax.nn.sigmoid(logits @ Wg + bg)
    tail_flat = tail.reshape(B, NT)
    kbt_index = jnp.broadcast_to(tail_flat[:, None, :], (B, MAX_LEN, NT))
    kbt_logits = jnp.zeros((B, MAX_LEN, VOCAB), jnp.float32).at[b_idx, m_idx, kbt_index].add(attn)
    p_con = jax.nn.sigmoid(mid @ Wc + bc)
    con_logits = p_gen * logits + (1.0 - p_gen) * copy_logits
    kb_logits = p_con * kbt_logits + (1.0 - p_con) * con_logits
    return kb_logits


def reference(input_ids, kg_enc_input, cross_attn, last_hidden_state, entity_emb, rel_emb, W_mlp, b_mlp, W_lin, W_li, Wq, Wk, Wv, Wo, W_out, Wg, bg, Wc, bc):
    return _forward(input_ids, kg_enc_input, cross_attn, last_hidden_state, entity_emb, rel_emb, W_mlp, b_mlp, W_lin, W_li, Wq, Wk, Wv, Wo, W_out, Wg, bg, Wc, bc)

if __name__ == "__main__":
    import jax
    _d = setup_inputs()
    print(jax.jit(kernel)(*tuple(_d.values())))

</pallas_src>

<mosaic_0001>
#map = affine_map<(d0, d1) -> (0, 0)>
module attributes {stable_mosaic.version = 14 : i64} {
  func.func @_sc_gather_body(%arg0: i32, %arg1: i32, %arg2: memref<50000x384xf32, #tpu.memory_space<hbm>>, %arg3: memref<1000x384xf32, #tpu.memory_space<hbm>>, %arg4: memref<64x128xi32, #tpu.memory_space<hbm>>, %arg5: memref<32x128xi32, #tpu.memory_space<hbm>>, %arg6: memref<8192x384xf32, #tpu.memory_space<hbm>>, %arg7: memref<4096x384xf32, #tpu.memory_space<hbm>>, %arg8: memref<2x128xi32, #tpu.memory_space<vmem>>, %arg9: memref<1x128xi32, #tpu.memory_space<vmem>>, %arg10: memref<128x384xf32, #tpu.memory_space<vmem>>, %arg11: memref<!tpu.dma_semaphore, #tpu.memory_space<semaphore_mem>>) attributes {dimension_semantics = [#tpu.dimension_semantics<core_parallel>, #tpu.dimension_semantics<subcore_parallel>], iteration_bounds = array<i64: 2, 16>, scalar_prefetch = 0 : i64, scratch_operands = 4 : i64, tpu.core_type = #tpu.core_type<sc_vector_subcore>, window_params = [{transform_indices = #map}, {transform_indices = #map}, {transform_indices = #map}, {transform_indices = #map}, {transform_indices = #map}, {transform_indices = #map}]} {
    %mul3A = arith.constant 2 : i32
    %mul3A_0 = arith.muli %arg1, %mul3A : i32
    %add3A = arith.addi %mul3A_0, %arg0 : i32
    %mul3A_1 = arith.constant 2 : i32
    %mul3A_2 = arith.muli %add3A, %mul3A_1 : i32
    "tpu.region"() ({
      %run_scoped3A = tpu.sem_alloc : memref<!tpu.dma_semaphore, #tpu.memory_space<semaphore_mem>>
      %dma_start3A_53 = arith.constant 0 : i32
      %dma_start3A_54 = tpu.memref_slice %arg4[%mul3A_2, %dma_start3A_53] : memref<64x128xi32, #tpu.memory_space<hbm>> -> memref<2x128xi32, #tpu.memory_space<hbm>>
      %dma_start3A_55 = arith.constant 0 : i32
      %dma_start3A_56 = tpu.memref_slice %arg4[%mul3A_2, %dma_start3A_55] : memref<64x128xi32, #tpu.memory_space<hbm>> -> memref<2x128xi32, #tpu.memory_space<hbm>>
      tpu.enqueue_dma source(%dma_start3A_56 : memref<2x128xi32, #tpu.memory_space<hbm>>) target(%arg8 : memref<2x128xi32, #tpu.memory_space<vmem>>) target_semaphore(%run_scoped3A : memref<!tpu.dma_semaphore, #tpu.memory_space<semaphore_mem>>)
      %dma_wait3A_57 = arith.constant 0 : i32
      %dma_wait3A_58 = tpu.memref_slice %arg4[%mul3A_2, %dma_wait3A_57] : memref<64x128xi32, #tpu.memory_space<hbm>> -> memref<2x128xi32, #tpu.memory_space<hbm>>
      %dma_wait3A_59 = arith.constant 0 : i32
      %dma_wait3A_60 = tpu.memref_slice %arg4[%mul3A_2, %dma_wait3A_59] : memref<64x128xi32, #tpu.memory_space<hbm>> -> memref<2x128xi32, #tpu.memory_space<hbm>>
      tpu.wait_dma2 semaphore(%run_scoped3A : memref<!tpu.dma_semaphore, #tpu.memory_space<semaphore_mem>>) src(%dma_wait3A_60 : memref<2x128xi32, #tpu.memory_space<hbm>>) dst(%arg8 : memref<2x128xi32, #tpu.memory_space<vmem>>)
      tpu.yield
    }) : () -> ()
    "tpu.region"() ({
      %run_scoped3A = tpu.sem_alloc : memref<!tpu.dma_semaphore, #tpu.memory_space<semaphore_mem>>
      %dma_start3A_53 = arith.constant 0 : i32
      %dma_start3A_54 = tpu.memref_slice %arg5[%add3A, %dma_start3A_53] : memref<32x128xi32, #tpu.memory_space<hbm>> -> memref<1x128xi32, #tpu.memory_space<hbm>>
      %dma_start3A_55 = arith.constant 0 : i32
      %dma_start3A_56 = tpu.memref_slice %arg5[%add3A, %dma_start3A_55] : memref<32x128xi32, #tpu.memory_space<hbm>> -> memref<1x128xi32, #tpu.memory_space<hbm>>
      tpu.enqueue_dma source(%dma_start3A_56 : memref<1x128xi32, #tpu.memory_space<hbm>>) target(%arg9 : memref<1x128xi32, #tpu.memory_space<vmem>>) target_semaphore(%run_scoped3A : memref<!tpu.dma_semaphore, #tpu.memory_space<semaphore_mem>>)
      %dma_wait3A_57 = arith.constant 0 : i32
      %dma_wait3A_58 = tpu.memref_slice %arg5[%add3A, %dma_wait3A_57] : memref<32x128xi32, #tpu.memory_space<hbm>> -> memref<1x128xi32, #tpu.memory_space<hbm>>
      %dma_wait3A_59 = arith.constant 0 : i32
      %dma_wait3A_60 = tpu.memref_slice %arg5[%add3A, %dma_wait3A_59] : memref<32x128xi32, #tpu.memory_space<hbm>> -> memref<1x128xi32, #tpu.memory_space<hbm>>
      tpu.wait_dma2 semaphore(%run_scoped3A : memref<!tpu.dma_semaphore, #tpu.memory_space<semaphore_mem>>) src(%dma_wait3A_60 : memref<1x128xi32, #tpu.memory_space<hbm>>) dst(%arg9 : memref<1x128xi32, #tpu.memory_space<vmem>>)
      tpu.yield
    }) : () -> ()
    %dma_start3A = arith.constant 0 : i32
    %dma_start3A_3 = arith.constant 0 : i32
    %dma_start3A_4 = tpu.memref_slice %arg8[%dma_start3A, %dma_start3A_3] : memref<2x128xi32, #tpu.memory_space<vmem>> -> memref<1x128xi32, #tpu.memory_space<vmem>>
    %dma_start3A_5 = tpu.memref_squeeze %dma_start3A_4 : memref<1x128xi32, #tpu.memory_space<vmem>> -> memref<128xi32, #tpu.memory_space<vmem>>
    %dma_start3A_6 = arith.constant 0 : i32
    %dma_start3A_7 = arith.constant 0 : i32
    %dma_start3A_8 = tpu.memref_slice %arg2[%dma_start3A_6, %dma_start3A_7] : memref<50000x384xf32, #tpu.memory_space<hbm>> -> memref<50000x384xf32, #tpu.memory_space<hbm>>
    tpu.enqueue_indirect_dma source(%dma_start3A_8 : memref<50000x384xf32, #tpu.memory_space<hbm>>) target(%arg10 : memref<128x384xf32, #tpu.memory_space<vmem>>) offsets(%dma_start3A_5 : memref<128xi32, #tpu.memory_space<vmem>>) semaphore(%arg11 : memref<!tpu.dma_semaphore, #tpu.memory_space<semaphore_mem>>)
    %dma_wait3A = arith.constant 0 : i32
    %dma_wait3A_9 = arith.constant 0 : i32
    %dma_wait3A_10 = tpu.memref_slice %arg8[%dma_wait3A, %dma_wait3A_9] : memref<2x128xi32, #tpu.memory_space<vmem>> -> memref<1x128xi32, #tpu.memory_space<vmem>>
    %dma_wait3A_11 = tpu.memref_squeeze %dma_wait3A_10 : memref<1x128xi32, #tpu.memory_space<vmem>> -> memref<128xi32, #tpu.memory_space<vmem>>
    %dma_wait3A_12 = arith.constant 0 : i32
    %dma_wait3A_13 = arith.constant 0 : i32
    %dma_wait3A_14 = tpu.memref_slice %arg2[%dma_wait3A_12, %dma_wait3A_13] : memref<50000x384xf32, #tpu.memory_space<hbm>> -> memref<50000x384xf32, #tpu.memory_space<hbm>>
    tpu.wait_indirect_dma semaphore(%arg11 : memref<!tpu.dma_semaphore, #tpu.memory_space<semaphore_mem>>) src(%dma_wait3A_14 : memref<50000x384xf32, #tpu.memory_space<hbm>>) dst(%arg10 : memref<128x384xf32, #tpu.memory_space<vmem>>)
    %mul3A_15 = arith.constant 256 : i32
    %mul3A_16 = arith.muli %add3A, %mul3A_15 : i32
    %add3A_17 = arith.constant 0 : i32
    %add3A_18 = arith.addi %mul3A_16, %add3A_17 : i32
    "tpu.region"() ({
      %run_scoped3A = tpu.sem_alloc : memref<!tpu.dma_semaphore, #tpu.memory_space<semaphore_mem>>
      %dma_start3A_53 = arith.constant 0 : i32
      %dma_start3A_54 = tpu.memref_slice %arg6[%add3A_18, %dma_start3A_53] : memref<8192x384xf32, #tpu.memory_space<hbm>> -> memref<128x384xf32, #tpu.memory_space<hbm>>
      %dma_start3A_55 = arith.constant 0 : i32
      %dma_start3A_56 = tpu.memref_slice %arg6[%add3A_18, %dma_start3A_55] : memref<8192x384xf32, #tpu.memory_space<hbm>> -> memref<128x384xf32, #tpu.memory_space<hbm>>
      tpu.enqueue_dma source(%arg10 : memref<128x384xf32, #tpu.memory_space<vmem>>) target(%dma_start3A_56 : memref<128x384xf32, #tpu.memory_space<hbm>>) target_semaphore(%run_scoped3A : memref<!tpu.dma_semaphore, #tpu.memory_space<semaphore_mem>>)
      %dma_wait3A_57 = arith.constant 0 : i32
      %dma_wait3A_58 = tpu.memref_slice %arg6[%add3A_18, %dma_wait3A_57] : memref<8192x384xf32, #tpu.memory_space<hbm>> -> memref<128x384xf32, #tpu.memory_space<hbm>>
      %dma_wait3A_59 = arith.constant 0 : i32
      %dma_wait3A_60 = tpu.memref_slice %arg6[%add3A_18, %dma_wait3A_59] : memref<8192x384xf32, #tpu.memory_space<hbm>> -> memref<128x384xf32, #tpu.memory_space<hbm>>
      tpu.wait_dma2 semaphore(%run_scoped3A : memref<!tpu.dma_semaphore, #tpu.memory_space<semaphore_mem>>) src(%arg10 : memref<128x384xf32, #tpu.memory_space<vmem>>) dst(%dma_wait3A_60 : memref<128x384xf32, #tpu.memory_space<hbm>>)
      tpu.yield
    }) : () -> ()
    %dma_start3A_19 = arith.constant 1 : i32
    %dma_start3A_20 = arith.constant 0 : i32
    %dma_start3A_21 = tpu.memref_slice %arg8[%dma_start3A_19, %dma_start3A_20] : memref<2x128xi32, #tpu.memory_space<vmem>> -> memref<1x128xi32, #tpu.memory_space<vmem>>
    %dma_start3A_22 = tpu.memref_squeeze %dma_start3A_21 : memref<1x128xi32, #tpu.memory_space<vmem>> -> memref<128xi32, #tpu.memory_space<vmem>>
    %dma_start3A_23 = arith.constant 0 : i32
    %dma_start3A_24 = arith.constant 0 : i32
    %dma_start3A_25 = tpu.memref_slice %arg2[%dma_start3A_23, %dma_start3A_24] : memref<50000x384xf32, #tpu.memory_space<hbm>> -> memref<50000x384xf32, #tpu.memory_space<hbm>>
    tpu.enqueue_indirect_dma source(%dma_start3A_25 : memref<50000x384xf32, #tpu.memory_space<hbm>>) target(%arg10 : memref<128x384xf32, #tpu.memory_space<vmem>>) offsets(%dma_start3A_22 : memref<128xi32, #tpu.memory_space<vmem>>) semaphore(%arg11 : memref<!tpu.dma_semaphore, #tpu.memory_space<semaphore_mem>>)
    %dma_wait3A_26 = arith.constant 1 : i32
    %dma_wait3A_27 = arith.constant 0 : i32
    %dma_wait3A_28 = tpu.memref_slice %arg8[%dma_wait3A_26, %dma_wait3A_27] : memref<2x128xi32, #tpu.memory_space<vmem>> -> memref<1x128xi32, #tpu.memory_space<vmem>>
    %dma_wait3A_29 = tpu.memref_squeeze %dma_wait3A_28 : memref<1x128xi32, #tpu.memory_space<vmem>> -> memref<128xi32, #tpu.memory_space<vmem>>
    %dma_wait3A_30 = arith.constant 0 : i32
    %dma_wait3A_31 = arith.constant 0 : i32
    %dma_wait3A_32 = tpu.memref_slice %arg2[%dma_wait3A_30, %dma_wait3A_31] : memref<50000x384xf32, #tpu.memory_space<hbm>> -> memref<50000x384xf32, #tpu.memory_space<hbm>>
    tpu.wait_indirect_dma semaphore(%arg11 : memref<!tpu.dma_semaphore, #tpu.memory_space<semaphore_mem>>) src(%dma_wait3A_32 : memref<50000x384xf32, #tpu.memory_space<hbm>>) dst(%arg10 : memref<128x384xf32, #tpu.memory_space<vmem>>)
    %mul3A_33 = arith.constant 256 : i32
    %mul3A_34 = arith.muli %add3A, %mul3A_33 : i32
    %add3A_35 = arith.constant 128 : i32
    %add3A_36 = arith.addi %mul3A_34, %add3A_35 : i32
    "tpu.region"() ({
      %run_scoped3A = tpu.sem_alloc : memref<!tpu.dma_semaphore, #tpu.memory_space<semaphore_mem>>
      %dma_start3A_53 = arith.constant 0 : i32
      %dma_start3A_54 = tpu.memref_slice %arg6[%add3A_36, %dma_start3A_53] : memref<8192x384xf32, #tpu.memory_space<hbm>> -> memref<128x384xf32, #tpu.memory_space<hbm>>
      %dma_start3A_55 = arith.constant 0 : i32
      %dma_start3A_56 = tpu.memref_slice %arg6[%add3A_36, %dma_start3A_55] : memref<8192x384xf32, #tpu.memory_space<hbm>> -> memref<128x384xf32, #tpu.memory_space<hbm>>
      tpu.enqueue_dma source(%arg10 : memref<128x384xf32, #tpu.memory_space<vmem>>) target(%dma_start3A_56 : memref<128x384xf32, #tpu.memory_space<hbm>>) target_semaphore(%run_scoped3A : memref<!tpu.dma_semaphore, #tpu.memory_space<semaphore_mem>>)
      %dma_wait3A_57 = arith.constant 0 : i32
      %dma_wait3A_58 = tpu.memref_slice %arg6[%add3A_36, %dma_wait3A_57] : memref<8192x384xf32, #tpu.memory_space<hbm>> -> memref<128x384xf32, #tpu.memory_space<hbm>>
      %dma_wait3A_59 = arith.constant 0 : i32
      %dma_wait3A_60 = tpu.memref_slice %arg6[%add3A_36, %dma_wait3A_59] : memref<8192x384xf32, #tpu.memory_space<hbm>> -> memref<128x384xf32, #tpu.memory_space<hbm>>
      tpu.wait_dma2 semaphore(%run_scoped3A : memref<!tpu.dma_semaphore, #tpu.memory_space<semaphore_mem>>) src(%arg10 : memref<128x384xf32, #tpu.memory_space<vmem>>) dst(%dma_wait3A_60 : memref<128x384xf32, #tpu.memory_space<hbm>>)
      tpu.yield
    }) : () -> ()
    %dma_start3A_37 = arith.constant 0 : i32
    %dma_start3A_38 = arith.constant 0 : i32
    %dma_start3A_39 = tpu.memref_slice %arg9[%dma_start3A_37, %dma_start3A_38] : memref<1x128xi32, #tpu.memory_space<vmem>> -> memref<1x128xi32, #tpu.memory_space<vmem>>
    %dma_start3A_40 = tpu.memref_squeeze %dma_start3A_39 : memref<1x128xi32, #tpu.memory_space<vmem>> -> memref<128xi32, #tpu.memory_space<vmem>>
    %dma_start3A_41 = arith.constant 0 : i32
    %dma_start3A_42 = arith.constant 0 : i32
    %dma_start3A_43 = tpu.memref_slice %arg3[%dma_start3A_41, %dma_start3A_42] : memref<1000x384xf32, #tpu.memory_space<hbm>> -> memref<1000x384xf32, #tpu.memory_space<hbm>>
    tpu.enqueue_indirect_dma source(%dma_start3A_43 : memref<1000x384xf32, #tpu.memory_space<hbm>>) target(%arg10 : memref<128x384xf32, #tpu.memory_space<vmem>>) offsets(%dma_start3A_40 : memref<128xi32, #tpu.memory_space<vmem>>) semaphore(%arg11 : memref<!tpu.dma_semaphore, #tpu.memory_space<semaphore_mem>>)
    %dma_wait3A_44 = arith.constant 0 : i32
    %dma_wait3A_45 = arith.constant 0 : i32
    %dma_wait3A_46 = tpu.memref_slice %arg9[%dma_wait3A_44, %dma_wait3A_45] : memref<1x128xi32, #tpu.memory_space<vmem>> -> memref<1x128xi32, #tpu.memory_space<vmem>>
    %dma_wait3A_47 = tpu.memref_squeeze %dma_wait3A_46 : memref<1x128xi32, #tpu.memory_space<vmem>> -> memref<128xi32, #tpu.memory_space<vmem>>
    %dma_wait3A_48 = arith.constant 0 : i32
    %dma_wait3A_49 = arith.constant 0 : i32
    %dma_wait3A_50 = tpu.memref_slice %arg3[%dma_wait3A_48, %dma_wait3A_49] : memref<1000x384xf32, #tpu.memory_space<hbm>> -> memref<1000x384xf32, #tpu.memory_space<hbm>>
    tpu.wait_indirect_dma semaphore(%arg11 : memref<!tpu.dma_semaphore, #tpu.memory_space<semaphore_mem>>) src(%dma_wait3A_50 : memref<1000x384xf32, #tpu.memory_space<hbm>>) dst(%arg10 : memref<128x384xf32, #tpu.memory_space<vmem>>)
    %mul3A_51 = arith.constant 128 : i32
    %mul3A_52 = arith.muli %add3A, %mul3A_51 : i32
    "tpu.region"() ({
      %run_scoped3A = tpu.sem_alloc : memref<!tpu.dma_semaphore, #tpu.memory_space<semaphore_mem>>
      %dma_start3A_53 = arith.constant 0 : i32
      %dma_start3A_54 = tpu.memref_slice %arg7[%mul3A_52, %dma_start3A_53] : memref<4096x384xf32, #tpu.memory_space<hbm>> -> memref<128x384xf32, #tpu.memory_space<hbm>>
      %dma_start3A_55 = arith.constant 0 : i32
      %dma_start3A_56 = tpu.memref_slice %arg7[%mul3A_52, %dma_start3A_55] : memref<4096x384xf32, #tpu.memory_space<hbm>> -> memref<128x384xf32, #tpu.memory_space<hbm>>
      tpu.enqueue_dma source(%arg10 : memref<128x384xf32, #tpu.memory_space<vmem>>) target(%dma_start3A_56 : memref<128x384xf32, #tpu.memory_space<hbm>>) target_semaphore(%run_scoped3A : memref<!tpu.dma_semaphore, #tpu.memory_space<semaphore_mem>>)
      %dma_wait3A_57 = arith.constant 0 : i32
      %dma_wait3A_58 = tpu.memref_slice %arg7[%mul3A_52, %dma_wait3A_57] : memref<4096x384xf32, #tpu.memory_space<hbm>> -> memref<128x384xf32, #tpu.memory_space<hbm>>
      %dma_wait3A_59 = arith.constant 0 : i32
      %dma_wait3A_60 = tpu.memref_slice %arg7[%mul3A_52, %dma_wait3A_59] : memref<4096x384xf32, #tpu.memory_space<hbm>> -> memref<128x384xf32, #tpu.memory_space<hbm>>
      tpu.wait_dma2 semaphore(%run_scoped3A : memref<!tpu.dma_semaphore, #tpu.memory_space<semaphore_mem>>) src(%arg10 : memref<128x384xf32, #tpu.memory_space<vmem>>) dst(%dma_wait3A_60 : memref<128x384xf32, #tpu.memory_space<hbm>>)
      tpu.yield
    }) : () -> ()
    return
  }
}

module attributes {stable_mosaic.version = 14 : i64} {
  func.func @_pad_kernel(%arg0: i32, %arg1: memref<1000x300xf32, #tpu.memory_space<vmem>>, %arg2: memref<1000x384xf32, #tpu.memory_space<vmem>>) attributes {dimension_semantics = [#tpu.dimension_semantics<arbitrary>], iteration_bounds = array<i64: 1>, scalar_prefetch = 0 : i64, scratch_operands = 0 : i64, tpu.core_type = #tpu.core_type<tc>, window_params = [{transform_indices = @transform_0, window_bounds = array<i64: 1000, 300>}, {transform_indices = @transform_1, window_bounds = array<i64: 1000, 384>}]} {
    %get3A = arith.constant 0 : index
    %get3A_0 = arith.constant 0 : index
    %get3A_1 = vector.load %arg1[%get3A, %get3A_0] : memref<1000x300xf32, #tpu.memory_space<vmem>>, vector<1000x300xf32>
    %broadcast_in_dim3A = arith.constant 0.000000e+00 : f32
    %broadcast_in_dim3A_2 = vector.broadcast %broadcast_in_dim3A : f32 to vector<1000x84xf32>
    %concatenate3A = tpu.concatenate %get3A_1, %broadcast_in_dim3A_2 in 1 : vector<1000x300xf32>, vector<1000x84xf32> -> vector<1000x384xf32>
    %swap3A = arith.constant 0 : index
    %swap3A_3 = arith.constant 0 : index
    %swap3A_4 = vector.load %arg2[%swap3A, %swap3A_3] : memref<1000x384xf32, #tpu.memory_space<vmem>>, vector<1000x384xf32>
    tpu.vector_store %arg2[%swap3A, %swap3A_3], %concatenate3A {strides = array<i32>} : memref<1000x384xf32, #tpu.memory_space<vmem>>, vector<1000x384xf32>,
    return
  }
  func.func @transform_0(%arg0: i32) -> (i32, i32) {
    %c0_i32 = arith.constant 0 : i32
    %c0_i32_0 = arith.constant 0 : i32
    return %arg0, %c0_i32 : i32, i32
  }
  func.func @transform_1(%arg0: i32) -> (i32, i32) {
    %c0_i32 = arith.constant 0 : i32
    %c0_i32_0 = arith.constant 0 : i32
    return %arg0, %c0_i32 : i32, i32
  }
}

module attributes {stable_mosaic.version = 14 : i64} {
  func.func @_pad_kernel(%arg0: i32, %arg1: memref<2000x300xf32, #tpu.memory_space<vmem>>, %arg2: memref<2000x384xf32, #tpu.memory_space<vmem>>) attributes {dimension_semantics = [#tpu.dimension_semantics<arbitrary>], iteration_bounds = array<i64: 25>, scalar_prefetch = 0 : i64, scratch_operands = 0 : i64, tpu.core_type = #tpu.core_type<tc>, window_params = [{transform_indices = @transform_0, window_bounds = array<i64: 2000, 300>}, {transform_indices = @transform_1, window_bounds = array<i64: 2000, 384>}]} {
    %get3A = arith.constant 0 : index
    %get3A_0 = arith.constant 0 : index
    %get3A_1 = vector.load %arg1[%get3A, %get3A_0] : memref<2000x300xf32, #tpu.memory_space<vmem>>, vector<2000x300xf32>
    %broadcast_in_dim3A = arith.constant 0.000000e+00 : f32
    %broadcast_in_dim3A_2 = vector.broadcast %broadcast_in_dim3A : f32 to vector<2000x84xf32>
    %concatenate3A = tpu.concatenate %get3A_1, %broadcast_in_dim3A_2 in 1 : vector<2000x300xf32>, vector<2000x84xf32> -> vector<2000x384xf32>
    %swap3A = arith.constant 0 : index
    %swap3A_3 = arith.constant 0 : index
    %swap3A_4 = vector.load %arg2[%swap3A, %swap3A_3] : memref<2000x384xf32, #tpu.memory_space<vmem>>, vector<2000x384xf32>
    tpu.vector_store %arg2[%swap3A, %swap3A_3], %concatenate3A {strides = array<i32>} : memref<2000x384xf32, #tpu.memory_space<vmem>>, vector<2000x384xf32>,
    return
  }
  func.func @transform_0(%arg0: i32) -> (i32, i32) {
    %c0_i32 = arith.constant 0 : i32
    %c0_i32_0 = arith.constant 0 : i32
    return %arg0, %c0_i32 : i32, i32
  }
  func.func @transform_1(%arg0: i32) -> (i32, i32) {
    %c0_i32 = arith.constant 0 : i32
    %c0_i32_0 = arith.constant 0 : i32
    return %arg0, %c0_i32 : i32, i32
  }
}

module attributes {stable_mosaic.version = 14 : i64} {
  func.func @_pass1_kernel(%arg0: i32, %arg1: memref<512x768xf32, #tpu.memory_space<vmem>>, %arg2: memref<768x2048xf32, #tpu.memory_space<vmem>>, %arg3: memref<1x2048xf32, #tpu.memory_space<vmem>>, %arg4: memref<512x2048xbf16, #tpu.memory_space<vmem>>, %arg5: memref<512x1xf32, #tpu.memory_space<vmem>>) attributes {dimension_semantics = [#tpu.dimension_semantics<arbitrary>], iteration_bounds = array<i64: 25>, scalar_prefetch = 0 : i64, scratch_operands = 0 : i64, tpu.core_type = #tpu.core_type<tc>, window_params = [{pipeline_mode = #tpu.pipeline_mode<synchronous>, transform_indices = @transform_0, window_bounds = array<i64: 512, 768>}, {transform_indices = @transform_1, window_bounds = array<i64: 768, 2048>}, {transform_indices = @transform_2, window_bounds = array<i64: 1, 2048>}, {transform_indices = @transform_3, window_bounds = array<i64: 512, 2048>}, {pipeline_mode = #tpu.pipeline_mode<synchronous>, transform_indices = @transform_4, window_bounds = array<i64: 512, 1>}]} {
    %eq3A = arith.constant 0 : i32
    %eq3A_0 = arith.cmpi eq, %arg0, %eq3A : i32
    %convert_element_type3A = arith.extui %eq3A_0 : i1 to i32
    %cond3A = arith.constant 0 : i32
    %cond3A_1 = arith.cmpi ne, %convert_element_type3A, %cond3A : i32
    scf.if %cond3A_1 {
      %broadcast_in_dim3A_36 = arith.constant 0.000000e+00 : f32
      %broadcast_in_dim3A_37 = vector.broadcast %broadcast_in_dim3A_36 : f32 to vector<512x1xf32>
      %swap3A_38 = arith.constant 0 : index
      %swap3A_39 = arith.constant 0 : index
      %swap3A_40 = vector.load %arg5[%swap3A_38, %swap3A_39] : memref<512x1xf32, #tpu.memory_space<vmem>>, vector<512x1xf32>
      tpu.vector_store %arg5[%swap3A_38, %swap3A_39], %broadcast_in_dim3A_37 {strides = array<i32>} : memref<512x1xf32, #tpu.memory_space<vmem>>, vector<512x1xf32>,
    } else {
    }
    %get3A = arith.constant 0 : index
    %get3A_2 = arith.constant 0 : index
    %get3A_3 = vector.load %arg1[%get3A, %get3A_2] : memref<512x768xf32, #tpu.memory_space<vmem>>, vector<512x768xf32>
    %convert_element_type3A_4 = arith.truncf %get3A_3 : vector<512x768xf32> to vector<512x768xbf16>
    %get3A_5 = arith.constant 0 : index
    %get3A_6 = arith.constant 0 : index
    %get3A_7 = vector.load %arg2[%get3A_5, %get3A_6] : memref<768x2048xf32, #tpu.memory_space<vmem>>, vector<768x2048xf32>
    %convert_element_type3A_8 = arith.truncf %get3A_7 : vector<768x2048xf32> to vector<768x2048xbf16>
    %dot_general3A = arith.constant dense<0.000000e+00> : vector<512x2048xf32>
    %dot_general3A_9 = tpu.matmul %convert_element_type3A_4, %convert_element_type3A_8, %dot_general3A {dimension_numbers = #tpu.dot_dimension_numbers<[1], [0], [0], [1], [0, 0, 1, 1], [], []>, transpose_lhs_hint = false} : vector<512x768xbf16>, vector<768x2048xbf16>, vector<512x2048xf32> -> vector<512x2048xf32>
    %convert_element_type3A_10 = arith.truncf %dot_general3A_9 : vector<512x2048xf32> to vector<512x2048xbf16>
    %swap3A = arith.constant 0 : index
    %swap3A_11 = arith.constant 0 : index
    %swap3A_12 = vector.load %arg4[%swap3A, %swap3A_11] : memref<512x2048xbf16, #tpu.memory_space<vmem>>, vector<512x2048xbf16>
    tpu.vector_store %arg4[%swap3A, %swap3A_11], %convert_element_type3A_10 {strides = array<i32>} : memref<512x2048xbf16, #tpu.memory_space<vmem>>, vector<512x2048xbf16>,
    %mul3A = arith.constant 2048 : i32
    %mul3A_13 = arith.muli %arg0, %mul3A : i32
    %iota3A = tpu.iota {dimensions = array<i32: 1>} : vector<1x2048xi32>
    %add3A = vector.broadcast %mul3A_13 : i32 to vector<1x2048xi32>
    %add3A_14 = arith.addi %add3A, %iota3A : vector<1x2048xi32>
    %lt3A = arith.constant 50000 : i32
    %lt3A_15 = vector.broadcast %lt3A : i32 to vector<1x2048xi32>
    %lt3A_16 = arith.cmpi slt, %add3A_14, %lt3A_15 : vector<1x2048xi32>
    %get3A_17 = arith.constant 0 : index
    %get3A_18 = arith.constant 0 : index
    %get3A_19 = vector.load %arg3[%get3A_17, %get3A_18] : memref<1x2048xf32, #tpu.memory_space<vmem>>, vector<1x2048xf32>
    %jit3A = arith.constant 0.000000e+00 : f32
    %broadcast_in_dim3A = vector.broadcast %jit3A : f32 to vector<1x2048xf32>
    %select_n3A = arith.select %lt3A_16, %get3A_19, %broadcast_in_dim3A : vector<1x2048xi1>, vector<1x2048xf32>
    %jit3A_20 = arith.constant 0.000000e+00 : f32
    %broadcast_in_dim3A_21 = vector.shape_cast %lt3A_16 : vector<1x2048xi1> to vector<1x2048xi1>
    %broadcast_in_dim3A_22 = vector.broadcast %broadcast_in_dim3A_21 : vector<1x2048xi1> to vector<512x2048xi1>
    %broadcast_in_dim3A_23 = vector.broadcast %jit3A_20 : f32 to vector<512x2048xf32>
    %select_n3A_24 = arith.select %broadcast_in_dim3A_22, %dot_general3A_9, %broadcast_in_dim3A_23 : vector<512x2048xi1>, vector<512x2048xf32>
    %get3A_25 = arith.constant 0 : index
    %get3A_26 = arith.constant 0 : index
    %get3A_27 = vector.load %arg5[%get3A_25, %get3A_26] : memref<512x1xf32, #tpu.memory_space<vmem>>, vector<512x1xf32>
    %mul3A_28 = vector.broadcast %select_n3A : vector<1x2048xf32> to vector<512x2048xf32>
    %mul3A_29 = arith.mulf %select_n3A_24, %mul3A_28 : vector<512x2048xf32>
    %reduce_sum3A = arith.constant dense<0.000000e+00> : vector<512xf32>
    %reduce_sum3A_30 = vector.multi_reduction <add>, %mul3A_29, %reduce_sum3A [1] : vector<512x2048xf32> to vector<512xf32>
    %broadcast_in_dim3A_31 = vector.shape_cast %reduce_sum3A_30 : vector<512xf32> to vector<512x1xf32>
    %add3A_32 = arith.addf %get3A_27, %broadcast_in_dim3A_31 : vector<512x1xf32>
    %swap3A_33 = arith.constant 0 : index
    %swap3A_34 = arith.constant 0 : index
    %swap3A_35 = vector.load %arg5[%swap3A_33, %swap3A_34] : memref<512x1xf32, #tpu.memory_space<vmem>>, vector<512x1xf32>
    tpu.vector_store %arg5[%swap3A_33, %swap3A_34], %add3A_32 {strides = array<i32>} : memref<512x1xf32, #tpu.memory_space<vmem>>, vector<512x1xf32>,
    return
  }
  func.func @transform_0(%arg0: i32) -> (i32, i32) {
    %c0_i32 = arith.constant 0 : i32
    %c0_i32_0 = arith.constant 0 : i32
    %c0_i32_1 = arith.constant 0 : i32
    return %c0_i32, %c0_i32_0 : i32, i32
  }
  func.func @transform_1(%arg0: i32) -> (i32, i32) {
    %c0_i32 = arith.constant 0 : i32
    %c0_i32_0 = arith.constant 0 : i32
    return %c0_i32, %arg0 : i32, i32
  }
  func.func @transform_2(%arg0: i32) -> (i32, i32) {
    %c0_i32 = arith.constant 0 : i32
    %c0_i32_0 = arith.constant 0 : i32
    return %c0_i32, %arg0 : i32, i32
  }
  func.func @transform_3(%arg0: i32) -> (i32, i32) {
    %c0_i32 = arith.constant 0 : i32
    %c0_i32_0 = arith.constant 0 : i32
    return %c0_i32, %arg0 : i32, i32
  }
  func.func @transform_4(%arg0: i32) -> (i32, i32) {
    %c0_i32 = arith.constant 0 : i32
    %c0_i32_0 = arith.constant 0 : i32
    %c0_i32_1 = arith.constant 0 : i32
    return %c0_i32, %c0_i32_0 : i32, i32
  }
}

module attributes {stable_mosaic.version = 14 : i64} {
  func.func @_prologue_kernel(%arg0: i32, %arg1: memref<1x512x384xf32, #tpu.memory_space<vmem>>, %arg2: memref<1x512x384xf32, #tpu.memory_space<vmem>>, %arg3: memref<1x512x384xf32, #tpu.memory_space<vmem>>, %arg4: memref<1x64x1536xf32, #tpu.memory_space<vmem>>, %arg5: memref<1x12x64x128xf32, #tpu.memory_space<vmem>>, %arg6: memref<384x900xf32, #tpu.memory_space<vmem>>, %arg7: memref<384x900xf32, #tpu.memory_space<vmem>>, %arg8: memref<384x900xf32, #tpu.memory_space<vmem>>, %arg9: memref<1x900xf32, #tpu.memory_space<vmem>>, %arg10: memref<900x768xf32, #tpu.memory_space<vmem>>, %arg11: memref<1536x768xf32, #tpu.memory_space<vmem>>, %arg12: memref<768x768xf32, #tpu.memory_space<vmem>>, %arg13: memref<768x768xf32, #tpu.memory_space<vmem>>, %arg14: memref<768x768xf32, #tpu.memory_space<vmem>>, %arg15: memref<768x768xf32, #tpu.memory_space<vmem>>, %arg16: memref<1x768xf32, #tpu.memory_space<vmem>>, %arg17: memref<1x128xf32, #tpu.memory_space<vmem>>, %arg18: memref<1x64x768xf32, #tpu.memory_space<vmem>>, %arg19: memref<1x64x128xf32, #tpu.memory_space<vmem>>, %arg20: memref<1x64x512xf32, #tpu.memory_space<vmem>>, %arg21: memref<1x64x128xf32, #tpu.memory_space<vmem>>) attributes {dimension_semantics = [#tpu.dimension_semantics<arbitrary>], iteration_bounds = array<i64: 8>, scalar_prefetch = 0 : i64, scratch_operands = 0 : i64, tpu.core_type = #tpu.core_type<tc>, window_params = [{transform_indices = @transform_0, window_bounds = array<i64: 1, 512, 384>}, {transform_indices = @transform_1, window_bounds = array<i64: 1, 512, 384>}, {transform_indices = @transform_2, window_bounds = array<i64: 1, 512, 384>}, {transform_indices = @transform_3, window_bounds = array<i64: 1, 64, 1536>}, {transform_indices = @transform_4, window_bounds = array<i64: 1, 12, 64, 128>}, {pipeline_mode = #tpu.pipeline_mode<synchronous>, transform_indices = @transform_5, window_bounds = array<i64: 384, 900>}, {pipeline_mode = #tpu.pipeline_mode<synchronous>, transform_indices = @transform_6, window_bounds = array<i64: 384, 900>}, {pipeline_mode = #tpu.pipeline_mode<synchronous>, transform_indices = @transform_7, window_bounds = array<i64: 384, 900>}, {pipeline_mode = #tpu.pipeline_mode<synchronous>, transform_indices = @transform_8, window_bounds = array<i64: 1, 900>}, {pipeline_mode = #tpu.pipeline_mode<synchronous>, transform_indices = @transform_9, window_bounds = array<i64: 900, 768>}, {pipeline_mode = #tpu.pipeline_mode<synchronous>, transform_indices = @transform_10, window_bounds = array<i64: 1536, 768>}, {pipeline_mode = #tpu.pipeline_mode<synchronous>, transform_indices = @transform_11, window_bounds = array<i64: 768, 768>}, {pipeline_mode = #tpu.pipeline_mode<synchronous>, transform_indices = @transform_12, window_bounds = array<i64: 768, 768>}, {pipeline_mode = #tpu.pipeline_mode<synchronous>, transform_indices = @transform_13, window_bounds = array<i64: 768, 768>}, {pipeline_mode = #tpu.pipeline_mode<synchronous>, transform_indices = @transform_14, window_bounds = array<i64: 768, 768>}, {pipeline_mode = #tpu.pipeline_mode<synchronous>, transform_indices = @transform_15, window_bounds = array<i64: 1, 768>}, {pipeline_mode = #tpu.pipeline_mode<synchronous>, transform_indices = @transform_16, window_bounds = array<i64: 1, 128>}, {transform_indices = @transform_17, window_bounds = array<i64: 1, 64, 768>}, {transform_indices = @transform_18, window_bounds = array<i64: 1, 64, 128>}, {transform_indices = @transform_19, window_bounds = array<i64: 1, 64, 512>}, {transform_indices = @transform_20, window_bounds = array<i64: 1, 64, 128>}]} {
    %get3A = arith.constant 0 : index
    %get3A_0 = arith.constant 0 : index
    %get3A_1 = arith.constant 0 : index
    %get3A_2 = vector.load %arg1[%get3A, %get3A_0, %get3A_1] : memref<1x512x384xf32, #tpu.memory_space<vmem>>, vector<1x512x384xf32>
    %get3A_3 = vector.shape_cast %get3A_2 : vector<1x512x384xf32> to vector<512x384xf32>
    %convert_element_type3A = arith.truncf %get3A_3 : vector<512x384xf32> to vector<512x384xbf16>
    %get3A_4 = arith.constant 0 : index
    %get3A_5 = arith.constant 0 : index
    %get3A_6 = vector.load %arg6[%get3A_4, %get3A_5] : memref<384x900xf32, #tpu.memory_space<vmem>>, vector<384x900xf32>
    %convert_element_type3A_7 = arith.truncf %get3A_6 : vector<384x900xf32> to vector<384x900xbf16>
    %dot_general3A = arith.constant dense<0.000000e+00> : vector<512x900xf32>
    %dot_general3A_8 = tpu.matmul %convert_element_type3A, %convert_element_type3A_7, %dot_general3A {dimension_numbers = #tpu.dot_dimension_numbers<[1], [0], [0], [1], [0, 0, 1, 1], [], []>, transpose_lhs_hint = false} : vector<512x384xbf16>, vector<384x900xbf16>, vector<512x900xf32> -> vector<512x900xf32>
    %get3A_9 = arith.constant 0 : index
    %get3A_10 = arith.constant 0 : index
    %get3A_11 = arith.constant 0 : index
    %get3A_12 = vector.load %arg2[%get3A_9, %get3A_10, %get3A_11] : memref<1x512x384xf32, #tpu.memory_space<vmem>>, vector<1x512x384xf32>
    %get3A_13 = vector.shape_cast %get3A_12 : vector<1x512x384xf32> to vector<512x384xf32>
    %convert_element_type3A_14 = arith.truncf %get3A_13 : vector<512x384xf32> to vector<512x384xbf16>
    %get3A_15 = arith.constant 0 : index
    %get3A_16 = arith.constant 0 : index
    %get3A_17 = vector.load %arg7[%get3A_15, %get3A_16] : memref<384x900xf32, #tpu.memory_space<vmem>>, vector<384x900xf32>
    %convert_element_type3A_18 = arith.truncf %get3A_17 : vector<384x900xf32> to vector<384x900xbf16>
    %dot_general3A_19 = arith.constant dense<0.000000e+00> : vector<512x900xf32>
    %dot_general3A_20 = tpu.matmul %convert_element_type3A_14, %convert_element_type3A_18, %dot_general3A_19 {dimension_numbers = #tpu.dot_dimension_numbers<[1], [0], [0], [1], [0, 0, 1, 1], [], []>, transpose_lhs_hint = false} : vector<512x384xbf16>, vector<384x900xbf16>, vector<512x900xf32> -> vector<512x900xf32>
    %add3A = arith.addf %dot_general3A_8, %dot_general3A_20 : vector<512x900xf32>
    %get3A_21 = arith.constant 0 : index
    %get3A_22 = arith.constant 0 : index
    %get3A_23 = arith.constant 0 : index
    %get3A_24 = vector.load %arg3[%get3A_21, %get3A_22, %get3A_23] : memref<1x512x384xf32, #tpu.memory_space<vmem>>, vector<1x512x384xf32>
    %get3A_25 = vector.shape_cast %get3A_24 : vector<1x512x384xf32> to vector<512x384xf32>
    %convert_element_type3A_26 = arith.truncf %get3A_25 : vector<512x384xf32> to vector<512x384xbf16>
    %get3A_27 = arith.constant 0 : index
    %get3A_28 = arith.constant 0 : index
    %get3A_29 = vector.load %arg8[%get3A_27, %get3A_28] : memref<384x900xf32, #tpu.memory_space<vmem>>, vector<384x900xf32>
    %convert_element_type3A_30 = arith.truncf %get3A_29 : vector<384x900xf32> to vector<384x900xbf16>
    %dot_general3A_31 = arith.constant dense<0.000000e+00> : vector<512x900xf32>
    %dot_general3A_32 = tpu.matmul %convert_element_type3A_26, %convert_element_type3A_30, %dot_general3A_31 {dimension_numbers = #tpu.dot_dimension_numbers<[1], [0], [0], [1], [0, 0, 1, 1], [], []>, transpose_lhs_hint = false} : vector<512x384xbf16>, vector<384x900xbf16>, vector<512x900xf32> -> vector<512x900xf32>
    %add3A_33 = arith.addf %add3A, %dot_general3A_32 : vector<512x900xf32>
    %get3A_34 = arith.constant 0 : index
    %get3A_35 = arith.constant 0 : index
    %get3A_36 = vector.load %arg9[%get3A_34, %get3A_35] : memref<1x900xf32, #tpu.memory_space<vmem>>, vector<1x900xf32>
    %add3A_37 = vector.broadcast %get3A_36 : vector<1x900xf32> to vector<512x900xf32>
    %add3A_38 = arith.addf %add3A_33, %add3A_37 : vector<512x900xf32>
    %convert_element_type3A_39 = arith.truncf %add3A_38 : vector<512x900xf32> to vector<512x900xbf16>
    %get3A_40 = arith.constant 0 : index
    %get3A_41 = arith.constant 0 : index
    %get3A_42 = vector.load %arg10[%get3A_40, %get3A_41] : memref<900x768xf32, #tpu.memory_space<vmem>>, vector<900x768xf32>
    %convert_element_type3A_43 = arith.truncf %get3A_42 : vector<900x768xf32> to vector<900x768xbf16>
    %dot_general3A_44 = arith.constant dense<0.000000e+00> : vector<512x768xf32>
    %dot_general3A_45 = tpu.matmul %convert_element_type3A_39, %convert_element_type3A_43, %dot_general3A_44 {dimension_numbers = #tpu.dot_dimension_numbers<[1], [0], [0], [1], [0, 0, 1, 1], [], []>, transpose_lhs_hint = false} : vector<512x900xbf16>, vector<900x768xbf16>, vector<512x768xf32> -> vector<512x768xf32>
    %convert_element_type3A_46 = arith.truncf %dot_general3A_45 : vector<512x768xf32> to vector<512x768xbf16>
    %get3A_47 = arith.constant 0 : index
    %get3A_48 = arith.constant 0 : index
    %get3A_49 = vector.load %arg13[%get3A_47, %get3A_48] : memref<768x768xf32, #tpu.memory_space<vmem>>, vector<768x768xf32>
    %convert_element_type3A_50 = arith.truncf %get3A_49 : vector<768x768xf32> to vector<768x768xbf16>
    %dot_general3A_51 = arith.constant dense<0.000000e+00> : vector<512x768xf32>
    %dot_general3A_52 = tpu.matmul %convert_element_type3A_46, %convert_element_type3A_50, %dot_general3A_51 {dimension_numbers = #tpu.dot_dimension_numbers<[1], [0], [0], [1], [0, 0, 1, 1], [], []>, transpose_lhs_hint = false} : vector<512x768xbf16>, vector<768x768xbf16>, vector<512x768xf32> -> vector<512x768xf32>
    %convert_element_type3A_53 = arith.truncf %dot_general3A_45 : vector<512x768xf32> to vector<512x768xbf16>
    %get3A_54 = arith.constant 0 : index
    %get3A_55 = arith.constant 0 : index
    %get3A_56 = vector.load %arg14[%get3A_54, %get3A_55] : memref<768x768xf32, #tpu.memory_space<vmem>>, vector<768x768xf32>
    %convert_element_type3A_57 = arith.truncf %get3A_56 : vector<768x768xf32> to vector<768x768xbf16>
    %dot_general3A_58 = arith.constant dense<0.000000e+00> : vector<512x768xf32>
    %dot_general3A_59 = tpu.matmul %convert_element_type3A_53, %convert_element_type3A_57, %dot_general3A_58 {dimension_numbers = #tpu.dot_dimension_numbers<[1], [0], [0], [1], [0, 0, 1, 1], [], []>, transpose_lhs_hint = false} : vector<512x768xbf16>, vector<768x768xbf16>, vector<512x768xf32> -> vector<512x768xf32>
    %get3A_60 = arith.constant 0 : index
    %get3A_61 = arith.constant 0 : index
    %get3A_62 = arith.constant 0 : index
    %get3A_63 = vector.load %arg4[%get3A_60, %get3A_61, %get3A_62] : memref<1x64x1536xf32, #tpu.memory_space<vmem>>, vector<1x64x1536xf32>
    %get3A_64 = vector.shape_cast %get3A_63 : vector<1x64x1536xf32> to vector<64x1536xf32>
    %convert_element_type3A_65 = arith.truncf %get3A_64 : vector<64x1536xf32> to vector<64x1536xbf16>
    %get3A_66 = arith.constant 0 : index
    %get3A_67 = arith.constant 0 : index
    %get3A_68 = vector.load %arg11[%get3A_66, %get3A_67] : memref<1536x768xf32, #tpu.memory_space<vmem>>, vector<1536x768xf32>
    %convert_element_type3A_69 = arith.truncf %get3A_68 : vector<1536x768xf32> to vector<1536x768xbf16>
    %dot_general3A_70 = arith.constant dense<0.000000e+00> : vector<64x768xf32>
    %dot_general3A_71 = tpu.matmul %convert_element_type3A_65, %convert_element_type3A_69, %dot_general3A_70 {dimension_numbers = #tpu.dot_dimension_numbers<[1], [0], [0], [1], [0, 0, 1, 1], [], []>, transpose_lhs_hint = false} : vector<64x1536xbf16>, vector<1536x768xbf16>, vector<64x768xf32> -> vector<64x768xf32>
    %convert_element_type3A_72 = arith.truncf %dot_general3A_71 : vector<64x768xf32> to vector<64x768xbf16>
    %get3A_73 = arith.constant 0 : index
    %get3A_74 = arith.constant 0 : index
    %get3A_75 = vector.load %arg12[%get3A_73, %get3A_74] : memref<768x768xf32, #tpu.memory_space<vmem>>, vector<768x768xf32>
    %convert_element_type3A_76 = arith.truncf %get3A_75 : vector<768x768xf32> to vector<768x768xbf16>
    %dot_general3A_77 = arith.constant dense<0.000000e+00> : vector<64x768xf32>
    %dot_general3A_78 = tpu.matmul %convert_element_type3A_72, %convert_element_type3A_76, %dot_general3A_77 {dimension_numbers = #tpu.dot_dimension_numbers<[1], [0], [0], [1], [0, 0, 1, 1], [], []>, transpose_lhs_hint = false} : vector<64x768xbf16>, vector<768x768xbf16>, vector<64x768xf32> -> vector<64x768xf32>
    %iota3A = tpu.iota {dimensions = array<i32: 1>} : vector<64x512xi32>
    %sqrt3A = arith.constant 9.600000e+01 : f32
    %sqrt3A_79 = math.sqrt %sqrt3A : f32
    %div3A = arith.constant 1.000000e+00 : f32
    %div3A_80 = arith.divf %div3A, %sqrt3A_79 : f32
    %broadcast_in_dim3A = arith.constant 0.000000e+00 : f32
    %broadcast_in_dim3A_81 = vector.broadcast %broadcast_in_dim3A : f32 to vector<64x512xf32>
    %slice3A = vector.extract_strided_slice %dot_general3A_78 {offsets = [0, 0], sizes = [64, 96], strides = [1, 1]} : vector<64x768xf32> to vector<64x96xf32>
    %convert_element_type3A_82 = arith.truncf %slice3A : vector<64x96xf32> to vector<64x96xbf16>
    %slice3A_83 = vector.extract_strided_slice %dot_general3A_52 {offsets = [0, 0], sizes = [512, 96], strides = [1, 1]} : vector<512x768xf32> to vector<512x96xf32>
    %convert_element_type3A_84 = arith.truncf %slice3A_83 : vector<512x96xf32> to vector<512x96xbf16>
    %slice3A_85 = vector.extract_strided_slice %dot_general3A_59 {offsets = [0, 0], sizes = [512, 96], strides = [1, 1]} : vector<512x768xf32> to vector<512x96xf32>
    %convert_element_type3A_86 = arith.truncf %slice3A_85 : vector<512x96xf32> to vector<512x96xbf16>
    %dot_general3A_87 = arith.constant dense<0.000000e+00> : vector<64x512xf32>
    %dot_general3A_88 = tpu.matmul %convert_element_type3A_82, %convert_element_type3A_84, %dot_general3A_87 {dimension_numbers = #tpu.dot_dimension_numbers<[1], [1], [0], [0], [0, 0, 1, 0], [], []>, transpose_lhs_hint = false} : vector<64x96xbf16>, vector<512x96xbf16>, vector<64x512xf32> -> vector<64x512xf32>
    %mul3A = vector.broadcast %div3A_80 : f32 to vector<64x512xf32>
    %mul3A_89 = arith.mulf %dot_general3A_88, %mul3A : vector<64x512xf32>
    %lt3A = arith.constant 500 : i32
    %lt3A_90 = vector.broadcast %lt3A : i32 to vector<64x512xi32>
    %lt3A_91 = arith.cmpi slt, %iota3A, %lt3A_90 : vector<64x512xi32>
    %jit3A = arith.constant -1.000000e+30 : f32
    %broadcast_in_dim3A_92 = vector.broadcast %jit3A : f32 to vector<64x512xf32>
    %select_n3A = arith.select %lt3A_91, %mul3A_89, %broadcast_in_dim3A_92 : vector<64x512xi1>, vector<64x512xf32>
    %reduce_max3A = arith.constant dense<0xFF800000> : vector<64xf32>
    %reduce_max3A_93 = vector.multi_reduction <maximumf>, %select_n3A, %reduce_max3A [1] : vector<64x512xf32> to vector<64xf32>
    %broadcast_in_dim3A_94 = vector.shape_cast %reduce_max3A_93 : vector<64xf32> to vector<64x1xf32>
    %sub3A = vector.broadcast %broadcast_in_dim3A_94 : vector<64x1xf32> to vector<64x512xf32>
    %sub3A_95 = arith.subf %select_n3A, %sub3A : vector<64x512xf32>
    %exp3A = math.exp %sub3A_95 : vector<64x512xf32>
    %reduce_sum3A = arith.constant dense<0.000000e+00> : vector<64xf32>
    %reduce_sum3A_96 = vector.multi_reduction <add>, %exp3A, %reduce_sum3A [1] : vector<64x512xf32> to vector<64xf32>
    %broadcast_in_dim3A_97 = vector.shape_cast %reduce_sum3A_96 : vector<64xf32> to vector<64x1xf32>
    %div3A_98 = vector.broadcast %broadcast_in_dim3A_97 : vector<64x1xf32> to vector<64x512xf32>
    %div3A_99 = arith.divf %exp3A, %div3A_98 : vector<64x512xf32>
    %add3A_100 = arith.addf %broadcast_in_dim3A_81, %div3A_99 : vector<64x512xf32>
    %convert_element_type3A_101 = arith.truncf %div3A_99 : vector<64x512xf32> to vector<64x512xbf16>
    %dot_general3A_102 = arith.constant dense<0.000000e+00> : vector<64x96xf32>
    %dot_general3A_103 = tpu.matmul %convert_element_type3A_101, %convert_element_type3A_86, %dot_general3A_102 {dimension_numbers = #tpu.dot_dimension_numbers<[1], [0], [0], [1], [0, 0, 1, 1], [], []>, transpose_lhs_hint = false} : vector<64x512xbf16>, vector<512x96xbf16>, vector<64x96xf32> -> vector<64x96xf32>
    %slice3A_104 = vector.extract_strided_slice %dot_general3A_78 {offsets = [0, 96], sizes = [64, 96], strides = [1, 1]} : vector<64x768xf32> to vector<64x96xf32>
    %convert_element_type3A_105 = arith.truncf %slice3A_104 : vector<64x96xf32> to vector<64x96xbf16>
    %slice3A_106 = vector.extract_strided_slice %dot_general3A_52 {offsets = [0, 96], sizes = [512, 96], strides = [1, 1]} : vector<512x768xf32> to vector<512x96xf32>
    %convert_element_type3A_107 = arith.truncf %slice3A_106 : vector<512x96xf32> to vector<512x96xbf16>
    %slice3A_108 = vector.extract_strided_slice %dot_general3A_59 {offsets = [0, 96], sizes = [512, 96], strides = [1, 1]} : vector<512x768xf32> to vector<512x96xf32>
    %convert_element_type3A_109 = arith.truncf %slice3A_108 : vector<512x96xf32> to vector<512x96xbf16>
    %dot_general3A_110 = arith.constant dense<0.000000e+00> : vector<64x512xf32>
    %dot_general3A_111 = tpu.matmul %convert_element_type3A_105, %convert_element_type3A_107, %dot_general3A_110 {dimension_numbers = #tpu.dot_dimension_numbers<[1], [1], [0], [0], [0, 0, 1, 0], [], []>, transpose_lhs_hint = false} : vector<64x96xbf16>, vector<512x96xbf16>, vector<64x512xf32> -> vector<64x512xf32>
    %mul3A_112 = vector.broadcast %div3A_80 : f32 to vector<64x512xf32>
    %mul3A_113 = arith.mulf %dot_general3A_111, %mul3A_112 : vector<64x512xf32>
    %lt3A_114 = arith.constant 500 : i32
    %lt3A_115 = vector.broadcast %lt3A_114 : i32 to vector<64x512xi32>
    %lt3A_116 = arith.cmpi slt, %iota3A, %lt3A_115 : vector<64x512xi32>
    %jit3A_117 = arith.constant -1.000000e+30 : f32
    %broadcast_in_dim3A_118 = vector.broadcast %jit3A_117 : f32 to vector<64x512xf32>
    %select_n3A_119 = arith.select %lt3A_116, %mul3A_113, %broadcast_in_dim3A_118 : vector<64x512xi1>, vector<64x512xf32>
    %reduce_max3A_120 = arith.constant dense<0xFF800000> : vector<64xf32>
    %reduce_max3A_121 = vector.multi_reduction <maximumf>, %select_n3A_119, %reduce_max3A_120 [1] : vector<64x512xf32> to vector<64xf32>
    %broadcast_in_dim3A_122 = vector.shape_cast %reduce_max3A_121 : vector<64xf32> to vector<64x1xf32>
    %sub3A_123 = vector.broadcast %broadcast_in_dim3A_122 : vector<64x1xf32> to vector<64x512xf32>
    %sub3A_124 = arith.subf %select_n3A_119, %sub3A_123 : vector<64x512xf32>
    %exp3A_125 = math.exp %sub3A_124 : vector<64x512xf32>
    %reduce_sum3A_126 = arith.constant dense<0.000000e+00> : vector<64xf32>
    %reduce_sum3A_127 = vector.multi_reduction <add>, %exp3A_125, %reduce_sum3A_126 [1] : vector<64x512xf32> to vector<64xf32>
    %broadcast_in_dim3A_128 = vector.shape_cast %reduce_sum3A_127 : vector<64xf32> to vector<64x1xf32>
    %div3A_129 = vector.broadcast %broadcast_in_dim3A_128 : vector<64x1xf32> to vector<64x512xf32>
    %div3A_130 = arith.divf %exp3A_125, %div3A_129 : vector<64x512xf32>
    %add3A_131 = arith.addf %add3A_100, %div3A_130 : vector<64x512xf32>
    %convert_element_type3A_132 = arith.truncf %div3A_130 : vector<64x512xf32> to vector<64x512xbf16>
    %dot_general3A_133 = arith.constant dense<0.000000e+00> : vector<64x96xf32>
    %dot_general3A_134 = tpu.matmul %convert_element_type3A_132, %convert_element_type3A_109, %dot_general3A_133 {dimension_numbers = #tpu.dot_dimension_numbers<[1], [0], [0], [1], [0, 0, 1, 1], [], []>, transpose_lhs_hint = false} : vector<64x512xbf16>, vector<512x96xbf16>, vector<64x96xf32> -> vector<64x96xf32>
    %slice3A_135 = vector.extract_strided_slice %dot_general3A_78 {offsets = [0, 192], sizes = [64, 96], strides = [1, 1]} : vector<64x768xf32> to vector<64x96xf32>
    %convert_element_type3A_136 = arith.truncf %slice3A_135 : vector<64x96xf32> to vector<64x96xbf16>
    %slice3A_137 = vector.extract_strided_slice %dot_general3A_52 {offsets = [0, 192], sizes = [512, 96], strides = [1, 1]} : vector<512x768xf32> to vector<512x96xf32>
    %convert_element_type3A_138 = arith.truncf %slice3A_137 : vector<512x96xf32> to vector<512x96xbf16>
    %slice3A_139 = vector.extract_strided_slice %dot_general3A_59 {offsets = [0, 192], sizes = [512, 96], strides = [1, 1]} : vector<512x768xf32> to vector<512x96xf32>
    %convert_element_type3A_140 = arith.truncf %slice3A_139 : vector<512x96xf32> to vector<512x96xbf16>
    %dot_general3A_141 = arith.constant dense<0.000000e+00> : vector<64x512xf32>
    %dot_general3A_142 = tpu.matmul %convert_element_type3A_136, %convert_element_type3A_138, %dot_general3A_141 {dimension_numbers = #tpu.dot_dimension_numbers<[1], [1], [0], [0], [0, 0, 1, 0], [], []>, transpose_lhs_hint = false} : vector<64x96xbf16>, vector<512x96xbf16>, vector<64x512xf32> -> vector<64x512xf32>
    %mul3A_143 = vector.broadcast %div3A_80 : f32 to vector<64x512xf32>
    %mul3A_144 = arith.mulf %dot_general3A_142, %mul3A_143 : vector<64x512xf32>
    %lt3A_145 = arith.constant 500 : i32
    %lt3A_146 = vector.broadcast %lt3A_145 : i32 to vector<64x512xi32>
    %lt3A_147 = arith.cmpi slt, %iota3A, %lt3A_146 : vector<64x512xi32>
    %jit3A_148 = arith.constant -1.000000e+30 : f32
    %broadcast_in_dim3A_149 = vector.broadcast %jit3A_148 : f32 to vector<64x512xf32>
    %select_n3A_150 = arith.select %lt3A_147, %mul3A_144, %broadcast_in_dim3A_149 : vector<64x512xi1>, vector<64x512xf32>
    %reduce_max3A_151 = arith.constant dense<0xFF800000> : vector<64xf32>
    %reduce_max3A_152 = vector.multi_reduction <maximumf>, %select_n3A_150, %reduce_max3A_151 [1] : vector<64x512xf32> to vector<64xf32>
    %broadcast_in_dim3A_153 = vector.shape_cast %reduce_max3A_152 : vector<64xf32> to vector<64x1xf32>
    %sub3A_154 = vector.broadcast %broadcast_in_dim3A_153 : vector<64x1xf32> to vector<64x512xf32>
    %sub3A_155 = arith.subf %select_n3A_150, %sub3A_154 : vector<64x512xf32>
    %exp3A_156 = math.exp %sub3A_155 : vector<64x512xf32>
    %reduce_sum3A_157 = arith.constant dense<0.000000e+00> : vector<64xf32>
    %reduce_sum3A_158 = vector.multi_reduction <add>, %exp3A_156, %reduce_sum3A_157 [1] : vector<64x512xf32> to vector<64xf32>
    %broadcast_in_dim3A_159 = vector.shape_cast %reduce_sum3A_158 : vector<64xf32> to vector<64x1xf32>
    %div3A_160 = vector.broadcast %broadcast_in_dim3A_159 : vector<64x1xf32> to vector<64x512xf32>
    %div3A_161 = arith.divf %exp3A_156, %div3A_160 : vector<64x512xf32>
    %add3A_162 = arith.addf %add3A_131, %div3A_161 : vector<64x512xf32>
    %convert_element_type3A_163 = arith.truncf %div3A_161 : vector<64x512xf32> to vector<64x512xbf16>
    %dot_general3A_164 = arith.constant dense<0.000000e+00> : vector<64x96xf32>
    %dot_general3A_165 = tpu.matmul %convert_element_type3A_163, %convert_element_type3A_140, %dot_general3A_164 {dimension_numbers = #tpu.dot_dimension_numbers<[1], [0], [0], [1], [0, 0, 1, 1], [], []>, transpose_lhs_hint = false} : vector<64x512xbf16>, vector<512x96xbf16>, vector<64x96xf32> -> vector<64x96xf32>
    %slice3A_166 = vector.extract_strided_slice %dot_general3A_78 {offsets = [0, 288], sizes = [64, 96], strides = [1, 1]} : vector<64x768xf32> to vector<64x96xf32>
    %convert_element_type3A_167 = arith.truncf %slice3A_166 : vector<64x96xf32> to vector<64x96xbf16>
    %slice3A_168 = vector.extract_strided_slice %dot_general3A_52 {offsets = [0, 288], sizes = [512, 96], strides = [1, 1]} : vector<512x768xf32> to vector<512x96xf32>
    %convert_element_type3A_169 = arith.truncf %slice3A_168 : vector<512x96xf32> to vector<512x96xbf16>
    %slice3A_170 = vector.extract_strided_slice %dot_general3A_59 {offsets = [0, 288], sizes = [512, 96], strides = [1, 1]} : vector<512x768xf32> to vector<512x96xf32>
    %convert_element_type3A_171 = arith.truncf %slice3A_170 : vector<512x96xf32> to vector<512x96xbf16>
    %dot_general3A_172 = arith.constant dense<0.000000e+00> : vector<64x512xf32>
    %dot_general3A_173 = tpu.matmul %convert_element_type3A_167, %convert_element_type3A_169, %dot_general3A_172 {dimension_numbers = #tpu.dot_dimension_numbers<[1], [1], [0], [0], [0, 0, 1, 0], [], []>, transpose_lhs_hint = false} : vector<64x96xbf16>, vector<512x96xbf16>, vector<64x512xf32> -> vector<64x512xf32>
    %mul3A_174 = vector.broadcast %div3A_80 : f32 to vector<64x512xf32>
    %mul3A_175 = arith.mulf %dot_general3A_173, %mul3A_174 : vector<64x512xf32>
    %lt3A_176 = arith.constant 500 : i32
    %lt3A_177 = vector.broadcast %lt3A_176 : i32 to vector<64x512xi32>
    %lt3A_178 = arith.cmpi slt, %iota3A, %lt3A_177 : vector<64x512xi32>
    %jit3A_179 = arith.constant -1.000000e+30 : f32
    %broadcast_in_dim3A_180 = vector.broadcast %jit3A_179 : f32 to vector<64x512xf32>
    %select_n3A_181 = arith.select %lt3A_178, %mul3A_175, %broadcast_in_dim3A_180 : vector<64x512xi1>, vector<64x512xf32>
    %reduce_max3A_182 = arith.constant dense<0xFF800000> : vector<64xf32>
    %reduce_max3A_183 = vector.multi_reduction <maximumf>, %select_n3A_181, %reduce_max3A_182 [1] : vector<64x512xf32> to vector<64xf32>
    %broadcast_in_dim3A_184 = vector.shape_cast %reduce_max3A_183 : vector<64xf32> to vector<64x1xf32>
    %sub3A_185 = vector.broadcast %broadcast_in_dim3A_184 : vector<64x1xf32> to vector<64x512xf32>
    %sub3A_186 = arith.subf %select_n3A_181, %sub3A_185 : vector<64x512xf32>
    %exp3A_187 = math.exp %sub3A_186 : vector<64x512xf32>
    %reduce_sum3A_188 = arith.constant dense<0.000000e+00> : vector<64xf32>
    %reduce_sum3A_189 = vector.multi_reduction <add>, %exp3A_187, %reduce_sum3A_188 [1] : vector<64x512xf32> to vector<64xf32>
    %broadcast_in_dim3A_190 = vector.shape_cast %reduce_sum3A_189 : vector<64xf32> to vector<64x1xf32>
    %div3A_191 = vector.broadcast %broadcast_in_dim3A_190 : vector<64x1xf32> to vector<64x512xf32>
    %div3A_192 = arith.divf %exp3A_187, %div3A_191 : vector<64x512xf32>
    %add3A_193 = arith.addf %add3A_162, %div3A_192 : vector<64x512xf32>
    %convert_element_type3A_194 = arith.truncf %div3A_192 : vector<64x512xf32> to vector<64x512xbf16>
    %dot_general3A_195 = arith.constant dense<0.000000e+00> : vector<64x96xf32>
    %dot_general3A_196 = tpu.matmul %convert_element_type3A_194, %convert_element_type3A_171, %dot_general3A_195 {dimension_numbers = #tpu.dot_dimension_numbers<[1], [0], [0], [1], [0, 0, 1, 1], [], []>, transpose_lhs_hint = false} : vector<64x512xbf16>, vector<512x96xbf16>, vector<64x96xf32> -> vector<64x96xf32>
    %slice3A_197 = vector.extract_strided_slice %dot_general3A_78 {offsets = [0, 384], sizes = [64, 96], strides = [1, 1]} : vector<64x768xf32> to vector<64x96xf32>
    %convert_element_type3A_198 = arith.truncf %slice3A_197 : vector<64x96xf32> to vector<64x96xbf16>
    %slice3A_199 = vector.extract_strided_slice %dot_general3A_52 {offsets = [0, 384], sizes = [512, 96], strides = [1, 1]} : vector<512x768xf32> to vector<512x96xf32>
    %convert_element_type3A_200 = arith.truncf %slice3A_199 : vector<512x96xf32> to vector<512x96xbf16>
    %slice3A_201 = vector.extract_strided_slice %dot_general3A_59 {offsets = [0, 384], sizes = [512, 96], strides = [1, 1]} : vector<512x768xf32> to vector<512x96xf32>
    %convert_element_type3A_202 = arith.truncf %slice3A_201 : vector<512x96xf32> to vector<512x96xbf16>
    %dot_general3A_203 = arith.constant dense<0.000000e+00> : vector<64x512xf32>
    %dot_general3A_204 = tpu.matmul %convert_element_type3A_198, %convert_element_type3A_200, %dot_general3A_203 {dimension_numbers = #tpu.dot_dimension_numbers<[1], [1], [0], [0], [0, 0, 1, 0], [], []>, transpose_lhs_hint = false} : vector<64x96xbf16>, vector<512x96xbf16>, vector<64x512xf32> -> vector<64x512xf32>
    %mul3A_205 = vector.broadcast %div3A_80 : f32 to vector<64x512xf32>
    %mul3A_206 = arith.mulf %dot_general3A_204, %mul3A_205 : vector<64x512xf32>
    %lt3A_207 = arith.constant 500 : i32
    %lt3A_208 = vector.broadcast %lt3A_207 : i32 to vector<64x512xi32>
    %lt3A_209 = arith.cmpi slt, %iota3A, %lt3A_208 : vector<64x512xi32>
    %jit3A_210 = arith.constant -1.000000e+30 : f32
    %broadcast_in_dim3A_211 = vector.broadcast %jit3A_210 : f32 to vector<64x512xf32>
    %select_n3A_212 = arith.select %lt3A_209, %mul3A_206, %broadcast_in_dim3A_211 : vector<64x512xi1>, vector<64x512xf32>
    %reduce_max3A_213 = arith.constant dense<0xFF800000> : vector<64xf32>
    %reduce_max3A_214 = vector.multi_reduction <maximumf>, %select_n3A_212, %reduce_max3A_213 [1] : vector<64x512xf32> to vector<64xf32>
    %broadcast_in_dim3A_215 = vector.shape_cast %reduce_max3A_214 : vector<64xf32> to vector<64x1xf32>
    %sub3A_216 = vector.broadcast %broadcast_in_dim3A_215 : vector<64x1xf32> to vector<64x512xf32>
    %sub3A_217 = arith.subf %select_n3A_212, %sub3A_216 : vector<64x512xf32>
    %exp3A_218 = math.exp %sub3A_217 : vector<64x512xf32>
    %reduce_sum3A_219 = arith.constant dense<0.000000e+00> : vector<64xf32>
    %reduce_sum3A_220 = vector.multi_reduction <add>, %exp3A_218, %reduce_sum3A_219 [1] : vector<64x512xf32> to vector<64xf32>
    %broadcast_in_dim3A_221 = vector.shape_cast %reduce_sum3A_220 : vector<64xf32> to vector<64x1xf32>
    %div3A_222 = vector.broadcast %broadcast_in_dim3A_221 : vector<64x1xf32> to vector<64x512xf32>
    %div3A_223 = arith.divf %exp3A_218, %div3A_222 : vector<64x512xf32>
    %add3A_224 = arith.addf %add3A_193, %div3A_223 : vector<64x512xf32>
    %convert_element_type3A_225 = arith.truncf %div3A_223 : vector<64x512xf32> to vector<64x512xbf16>
    %dot_general3A_226 = arith.constant dense<0.000000e+00> : vector<64x96xf32>
    %dot_general3A_227 = tpu.matmul %convert_element_type3A_225, %convert_element_type3A_202, %dot_general3A_226 {dimension_numbers = #tpu.dot_dimension_numbers<[1], [0], [0], [1], [0, 0, 1, 1], [], []>, transpose_lhs_hint = false} : vector<64x512xbf16>, vector<512x96xbf16>, vector<64x96xf32> -> vector<64x96xf32>
    %slice3A_228 = vector.extract_strided_slice %dot_general3A_78 {offsets = [0, 480], sizes = [64, 96], strides = [1, 1]} : vector<64x768xf32> to vector<64x96xf32>
    %convert_element_type3A_229 = arith.truncf %slice3A_228 : vector<64x96xf32> to vector<64x96xbf16>
    %slice3A_230 = vector.extract_strided_slice %dot_general3A_52 {offsets = [0, 480], sizes = [512, 96], strides = [1, 1]} : vector<512x768xf32> to vector<512x96xf32>
    %convert_element_type3A_231 = arith.truncf %slice3A_230 : vector<512x96xf32> to vector<512x96xbf16>
    %slice3A_232 = vector.extract_strided_slice %dot_general3A_59 {offsets = [0, 480], sizes = [512, 96], strides = [1, 1]} : vector<512x768xf32> to vector<512x96xf32>
    %convert_element_type3A_233 = arith.truncf %slice3A_232 : vector<512x96xf32> to vector<512x96xbf16>
    %dot_general3A_234 = arith.constant dense<0.000000e+00> : vector<64x512xf32>
    %dot_general3A_235 = tpu.matmul %convert_element_type3A_229, %convert_element_type3A_231, %dot_general3A_234 {dimension_numbers = #tpu.dot_dimension_numbers<[1], [1], [0], [0], [0, 0, 1, 0], [], []>, transpose_lhs_hint = false} : vector<64x96xbf16>, vector<512x96xbf16>, vector<64x512xf32> -> vector<64x512xf32>
    %mul3A_236 = vector.broadcast %div3A_80 : f32 to vector<64x512xf32>
    %mul3A_237 = arith.mulf %dot_general3A_235, %mul3A_236 : vector<64x512xf32>
    %lt3A_238 = arith.constant 500 : i32
    %lt3A_239 = vector.broadcast %lt3A_238 : i32 to vector<64x512xi32>
    %lt3A_240 = arith.cmpi slt, %iota3A, %lt3A_239 : vector<64x512xi32>
    %jit3A_241 = arith.constant -1.000000e+30 : f32
    %broadcast_in_dim3A_242 = vector.broadcast %jit3A_241 : f32 to vector<64x512xf32>
    %select_n3A_243 = arith.select %lt3A_240, %mul3A_237, %broadcast_in_dim3A_242 : vector<64x512xi1>, vector<64x512xf32>
    %reduce_max3A_244 = arith.constant dense<0xFF800000> : vector<64xf32>
    %reduce_max3A_245 = vector.multi_reduction <maximumf>, %select_n3A_243, %reduce_max3A_244 [1] : vector<64x512xf32> to vector<64xf32>
    %broadcast_in_dim3A_246 = vector.shape_cast %reduce_max3A_245 : vector<64xf32> to vector<64x1xf32>
    %sub3A_247 = vector.broadcast %broadcast_in_dim3A_246 : vector<64x1xf32> to vector<64x512xf32>
    %sub3A_248 = arith.subf %select_n3A_243, %sub3A_247 : vector<64x512xf32>
    %exp3A_249 = math.exp %sub3A_248 : vector<64x512xf32>
    %reduce_sum3A_250 = arith.constant dense<0.000000e+00> : vector<64xf32>
    %reduce_sum3A_251 = vector.multi_reduction <add>, %exp3A_249, %reduce_sum3A_250 [1] : vector<64x512xf32> to vector<64xf32>
    %broadcast_in_dim3A_252 = vector.shape_cast %reduce_sum3A_251 : vector<64xf32> to vector<64x1xf32>
    %div3A_253 = vector.broadcast %broadcast_in_dim3A_252 : vector<64x1xf32> to vector<64x512xf32>
    %div3A_254 = arith.divf %exp3A_249, %div3A_253 : vector<64x512xf32>
    %add3A_255 = arith.addf %add3A_224, %div3A_254 : vector<64x512xf32>
    %convert_element_type3A_256 = arith.truncf %div3A_254 : vector<64x512xf32> to vector<64x512xbf16>
    %dot_general3A_257 = arith.constant dense<0.000000e+00> : vector<64x96xf32>
    %dot_general3A_258 = tpu.matmul %convert_element_type3A_256, %convert_element_type3A_233, %dot_general3A_257 {dimension_numbers = #tpu.dot_dimension_numbers<[1], [0], [0], [1], [0, 0, 1, 1], [], []>, transpose_lhs_hint = false} : vector<64x512xbf16>, vector<512x96xbf16>, vector<64x96xf32> -> vector<64x96xf32>
    %slice3A_259 = vector.extract_strided_slice %dot_general3A_78 {offsets = [0, 576], sizes = [64, 96], strides = [1, 1]} : vector<64x768xf32> to vector<64x96xf32>
    %convert_element_type3A_260 = arith.truncf %slice3A_259 : vector<64x96xf32> to vector<64x96xbf16>
    %slice3A_261 = vector.extract_strided_slice %dot_general3A_52 {offsets = [0, 576], sizes = [512, 96], strides = [1, 1]} : vector<512x768xf32> to vector<512x96xf32>
    %convert_element_type3A_262 = arith.truncf %slice3A_261 : vector<512x96xf32> to vector<512x96xbf16>
    %slice3A_263 = vector.extract_strided_slice %dot_general3A_59 {offsets = [0, 576], sizes = [512, 96], strides = [1, 1]} : vector<512x768xf32> to vector<512x96xf32>
    %convert_element_type3A_264 = arith.truncf %slice3A_263 : vector<512x96xf32> to vector<512x96xbf16>
    %dot_general3A_265 = arith.constant dense<0.000000e+00> : vector<64x512xf32>
    %dot_general3A_266 = tpu.matmul %convert_element_type3A_260, %convert_element_type3A_262, %dot_general3A_265 {dimension_numbers = #tpu.dot_dimension_numbers<[1], [1], [0], [0], [0, 0, 1, 0], [], []>, transpose_lhs_hint = false} : vector<64x96xbf16>, vector<512x96xbf16>, vector<64x512xf32> -> vector<64x512xf32>
    %mul3A_267 = vector.broadcast %div3A_80 : f32 to vector<64x512xf32>
    %mul3A_268 = arith.mulf %dot_general3A_266, %mul3A_267 : vector<64x512xf32>
    %lt3A_269 = arith.constant 500 : i32
    %lt3A_270 = vector.broadcast %lt3A_269 : i32 to vector<64x512xi32>
    %lt3A_271 = arith.cmpi slt, %iota3A, %lt3A_270 : vector<64x512xi32>
    %jit3A_272 = arith.constant -1.000000e+30 : f32
    %broadcast_in_dim3A_273 = vector.broadcast %jit3A_272 : f32 to vector<64x512xf32>
    %select_n3A_274 = arith.select %lt3A_271, %mul3A_268, %broadcast_in_dim3A_273 : vector<64x512xi1>, vector<64x512xf32>
    %reduce_max3A_275 = arith.constant dense<0xFF800000> : vector<64xf32>
    %reduce_max3A_276 = vector.multi_reduction <maximumf>, %select_n3A_274, %reduce_max3A_275 [1] : vector<64x512xf32> to vector<64xf32>
    %broadcast_in_dim3A_277 = vector.shape_cast %reduce_max3A_276 : vector<64xf32> to vector<64x1xf32>
    %sub3A_278 = vector.broadcast %broadcast_in_dim3A_277 : vector<64x1xf32> to vector<64x512xf32>
    %sub3A_279 = arith.subf %select_n3A_274, %sub3A_278 : vector<64x512xf32>
    %exp3A_280 = math.exp %sub3A_279 : vector<64x512xf32>
    %reduce_sum3A_281 = arith.constant dense<0.000000e+00> : vector<64xf32>
    %reduce_sum3A_282 = vector.multi_reduction <add>, %exp3A_280, %reduce_sum3A_281 [1] : vector<64x512xf32> to vector<64xf32>
    %broadcast_in_dim3A_283 = vector.shape_cast %reduce_sum3A_282 : vector<64xf32> to vector<64x1xf32>
    %div3A_284 = vector.broadcast %broadcast_in_dim3A_283 : vector<64x1xf32> to vector<64x512xf32>
    %div3A_285 = arith.divf %exp3A_280, %div3A_284 : vector<64x512xf32>
    %add3A_286 = arith.addf %add3A_255, %div3A_285 : vector<64x512xf32>
    %convert_element_type3A_287 = arith.truncf %div3A_285 : vector<64x512xf32> to vector<64x512xbf16>
    %dot_general3A_288 = arith.constant dense<0.000000e+00> : vector<64x96xf32>
    %dot_general3A_289 = tpu.matmul %convert_element_type3A_287, %convert_element_type3A_264, %dot_general3A_288 {dimension_numbers = #tpu.dot_dimension_numbers<[1], [0], [0], [1], [0, 0, 1, 1], [], []>, transpose_lhs_hint = false} : vector<64x512xbf16>, vector<512x96xbf16>, vector<64x96xf32> -> vector<64x96xf32>
    %slice3A_290 = vector.extract_strided_slice %dot_general3A_78 {offsets = [0, 672], sizes = [64, 96], strides = [1, 1]} : vector<64x768xf32> to vector<64x96xf32>
    %convert_element_type3A_291 = arith.truncf %slice3A_290 : vector<64x96xf32> to vector<64x96xbf16>
    %slice3A_292 = vector.extract_strided_slice %dot_general3A_52 {offsets = [0, 672], sizes = [512, 96], strides = [1, 1]} : vector<512x768xf32> to vector<512x96xf32>
    %convert_element_type3A_293 = arith.truncf %slice3A_292 : vector<512x96xf32> to vector<512x96xbf16>
    %slice3A_294 = vector.extract_strided_slice %dot_general3A_59 {offsets = [0, 672], sizes = [512, 96], strides = [1, 1]} : vector<512x768xf32> to vector<512x96xf32>
    %convert_element_type3A_295 = arith.truncf %slice3A_294 : vector<512x96xf32> to vector<512x96xbf16>
    %dot_general3A_296 = arith.constant dense<0.000000e+00> : vector<64x512xf32>
    %dot_general3A_297 = tpu.matmul %convert_element_type3A_291, %convert_element_type3A_293, %dot_general3A_296 {dimension_numbers = #tpu.dot_dimension_numbers<[1], [1], [0], [0], [0, 0, 1, 0], [], []>, transpose_lhs_hint = false} : vector<64x96xbf16>, vector<512x96xbf16>, vector<64x512xf32> -> vector<64x512xf32>
    %mul3A_298 = vector.broadcast %div3A_80 : f32 to vector<64x512xf32>
    %mul3A_299 = arith.mulf %dot_general3A_297, %mul3A_298 : vector<64x512xf32>
    %lt3A_300 = arith.constant 500 : i32
    %lt3A_301 = vector.broadcast %lt3A_300 : i32 to vector<64x512xi32>
    %lt3A_302 = arith.cmpi slt, %iota3A, %lt3A_301 : vector<64x512xi32>
    %jit3A_303 = arith.constant -1.000000e+30 : f32
    %broadcast_in_dim3A_304 = vector.broadcast %jit3A_303 : f32 to vector<64x512xf32>
    %select_n3A_305 = arith.select %lt3A_302, %mul3A_299, %broadcast_in_dim3A_304 : vector<64x512xi1>, vector<64x512xf32>
    %reduce_max3A_306 = arith.constant dense<0xFF800000> : vector<64xf32>
    %reduce_max3A_307 = vector.multi_reduction <maximumf>, %select_n3A_305, %reduce_max3A_306 [1] : vector<64x512xf32> to vector<64xf32>
    %broadcast_in_dim3A_308 = vector.shape_cast %reduce_max3A_307 : vector<64xf32> to vector<64x1xf32>
    %sub3A_309 = vector.broadcast %broadcast_in_dim3A_308 : vector<64x1xf32> to vector<64x512xf32>
    %sub3A_310 = arith.subf %select_n3A_305, %sub3A_309 : vector<64x512xf32>
    %exp3A_311 = math.exp %sub3A_310 : vector<64x512xf32>
    %reduce_sum3A_312 = arith.constant dense<0.000000e+00> : vector<64xf32>
    %reduce_sum3A_313 = vector.multi_reduction <add>, %exp3A_311, %reduce_sum3A_312 [1] : vector<64x512xf32> to vector<64xf32>
    %broadcast_in_dim3A_314 = vector.shape_cast %reduce_sum3A_313 : vector<64xf32> to vector<64x1xf32>
    %div3A_315 = vector.broadcast %broadcast_in_dim3A_314 : vector<64x1xf32> to vector<64x512xf32>
    %div3A_316 = arith.divf %exp3A_311, %div3A_315 : vector<64x512xf32>
    %add3A_317 = arith.addf %add3A_286, %div3A_316 : vector<64x512xf32>
    %convert_element_type3A_318 = arith.truncf %div3A_316 : vector<64x512xf32> to vector<64x512xbf16>
    %dot_general3A_319 = arith.constant dense<0.000000e+00> : vector<64x96xf32>
    %dot_general3A_320 = tpu.matmul %convert_element_type3A_318, %convert_element_type3A_295, %dot_general3A_319 {dimension_numbers = #tpu.dot_dimension_numbers<[1], [0], [0], [1], [0, 0, 1, 1], [], []>, transpose_lhs_hint = false} : vector<64x512xbf16>, vector<512x96xbf16>, vector<64x96xf32> -> vector<64x96xf32>
    %concatenate3A = tpu.concatenate %dot_general3A_103, %dot_general3A_134, %dot_general3A_165, %dot_general3A_196, %dot_general3A_227, %dot_general3A_258, %dot_general3A_289, %dot_general3A_320 in 1 : vector<64x96xf32>, vector<64x96xf32>, vector<64x96xf32>, vector<64x96xf32>, vector<64x96xf32>, vector<64x96xf32>, vector<64x96xf32>, vector<64x96xf32> -> vector<64x768xf32>
    %convert_element_type3A_321 = arith.truncf %concatenate3A : vector<64x768xf32> to vector<64x768xbf16>
    %get3A_322 = arith.constant 0 : index
    %get3A_323 = arith.constant 0 : index
    %get3A_324 = vector.load %arg15[%get3A_322, %get3A_323] : memref<768x768xf32, #tpu.memory_space<vmem>>, vector<768x768xf32>
    %convert_element_type3A_325 = arith.truncf %get3A_324 : vector<768x768xf32> to vector<768x768xbf16>
    %dot_general3A_326 = arith.constant dense<0.000000e+00> : vector<64x768xf32>
    %dot_general3A_327 = tpu.matmul %convert_element_type3A_321, %convert_element_type3A_325, %dot_general3A_326 {dimension_numbers = #tpu.dot_dimension_numbers<[1], [0], [0], [1], [0, 0, 1, 1], [], []>, transpose_lhs_hint = false} : vector<64x768xbf16>, vector<768x768xbf16>, vector<64x768xf32> -> vector<64x768xf32>
    %get3A_328 = arith.constant 0 : index
    %get3A_329 = arith.constant 0 : index
    %get3A_330 = vector.load %arg16[%get3A_328, %get3A_329] : memref<1x768xf32, #tpu.memory_space<vmem>>, vector<1x768xf32>
    %mul3A_331 = vector.broadcast %get3A_330 : vector<1x768xf32> to vector<64x768xf32>
    %mul3A_332 = arith.mulf %dot_general3A_327, %mul3A_331 : vector<64x768xf32>
    %reduce_sum3A_333 = arith.constant dense<0.000000e+00> : vector<64xf32>
    %reduce_sum3A_334 = vector.multi_reduction <add>, %mul3A_332, %reduce_sum3A_333 [1] : vector<64x768xf32> to vector<64xf32>
    %broadcast_in_dim3A_335 = vector.shape_cast %reduce_sum3A_334 : vector<64xf32> to vector<64x1xf32>
    %get3A_336 = arith.constant 0 : index
    %get3A_337 = arith.constant 0 : index
    %get3A_338 = vector.load %arg17[%get3A_336, %get3A_337] : memref<1x128xf32, #tpu.memory_space<vmem>>, vector<1x1xf32>
    %get3A_339 = vector.extract %get3A_338[0, 0] : f32 from vector<1x1xf32>
    %add3A_340 = vector.broadcast %get3A_339 : f32 to vector<64x1xf32>
    %add3A_341 = arith.addf %broadcast_in_dim3A_335, %add3A_340 : vector<64x1xf32>
    %logistic3A = arith.negf %add3A_341 : vector<64x1xf32>
    %logistic3A_342 = math.exp %logistic3A : vector<64x1xf32>
    %logistic3A_343 = arith.constant 1.000000e+00 : f32
    %logistic3A_344 = vector.broadcast %logistic3A_343 : f32 to vector<64x1xf32>
    %logistic3A_345 = arith.addf %logistic3A_344, %logistic3A_342 : vector<64x1xf32>
    %logistic3A_346 = arith.divf %logistic3A_344, %logistic3A_345 : vector<64x1xf32>
    %get3A_347 = arith.constant 0 : index
    %get3A_348 = arith.constant 0 : index
    %get3A_349 = arith.constant 0 : index
    %get3A_350 = arith.constant 0 : index
    %get3A_351 = vector.load %arg5[%get3A_347, %get3A_348, %get3A_349, %get3A_350] : memref<1x12x64x128xf32, #tpu.memory_space<vmem>>, vector<1x12x64x128xf32>
    %get3A_352 = vector.shape_cast %get3A_351 : vector<1x12x64x128xf32> to vector<12x64x128xf32>
    %reduce_sum3A_353 = arith.constant dense<0.000000e+00> : vector<64x128xf32>
    %reduce_sum3A_354 = vector.multi_reduction <add>, %get3A_352, %reduce_sum3A_353 [0] : vector<12x64x128xf32> to vector<64x128xf32>
    %div3A_355 = arith.constant 1.200000e+01 : f32
    %div3A_356 = vector.broadcast %div3A_355 : f32 to vector<64x128xf32>
    %div3A_357 = arith.divf %reduce_sum3A_354, %div3A_356 : vector<64x128xf32>
    %swap3A = arith.constant 0 : index
    %swap3A_358 = arith.constant 0 : index
    %swap3A_359 = arith.constant 0 : index
    %swap3A_360 = vector.load %arg18[%swap3A, %swap3A_358, %swap3A_359] : memref<1x64x768xf32, #tpu.memory_space<vmem>>, vector<1x64x768xf32>
    %swap3A_361 = vector.shape_cast %swap3A_360 : vector<1x64x768xf32> to vector<64x768xf32>
    %swap3A_362 = vector.shape_cast %dot_general3A_71 : vector<64x768xf32> to vector<1x64x768xf32>
    tpu.vector_store %arg18[%swap3A, %swap3A_358, %swap3A_359], %swap3A_362 {strides = array<i32>} : memref<1x64x768xf32, #tpu.memory_space<vmem>>, vector<1x64x768xf32>,
    %sub3A_363 = arith.constant 1.000000e+00 : f32
    %sub3A_364 = vector.broadcast %sub3A_363 : f32 to vector<64x1xf32>
    %sub3A_365 = arith.subf %sub3A_364, %logistic3A_346 : vector<64x1xf32>
    %mul3A_366 = vector.broadcast %sub3A_365 : vector<64x1xf32> to vector<64x128xf32>
    %mul3A_367 = arith.mulf %mul3A_366, %div3A_357 : vector<64x128xf32>
    %swap3A_368 = arith.constant 0 : index
    %swap3A_369 = arith.constant 0 : index
    %swap3A_370 = arith.constant 0 : index
    %swap3A_371 = vector.load %arg19[%swap3A_368, %swap3A_369, %swap3A_370] : memref<1x64x128xf32, #tpu.memory_space<vmem>>, vector<1x64x128xf32>
    %swap3A_372 = vector.shape_cast %swap3A_371 : vector<1x64x128xf32> to vector<64x128xf32>
    %swap3A_373 = vector.shape_cast %mul3A_367 : vector<64x128xf32> to vector<1x64x128xf32>
    tpu.vector_store %arg19[%swap3A_368, %swap3A_369, %swap3A_370], %swap3A_373 {strides = array<i32>} : memref<1x64x128xf32, #tpu.memory_space<vmem>>, vector<1x64x128xf32>,
    %div3A_374 = arith.constant 8.000000e+00 : f32
    %div3A_375 = vector.broadcast %div3A_374 : f32 to vector<64x512xf32>
    %div3A_376 = arith.divf %add3A_317, %div3A_375 : vector<64x512xf32>
    %mul3A_377 = vector.broadcast %logistic3A_346 : vector<64x1xf32> to vector<64x512xf32>
    %mul3A_378 = arith.mulf %mul3A_377, %div3A_376 : vector<64x512xf32>
    %swap3A_379 = arith.constant 0 : index
    %swap3A_380 = arith.constant 0 : index
    %swap3A_381 = arith.constant 0 : index
    %swap3A_382 = vector.load %arg20[%swap3A_379, %swap3A_380, %swap3A_381] : memref<1x64x512xf32, #tpu.memory_space<vmem>>, vector<1x64x512xf32>
    %swap3A_383 = vector.shape_cast %swap3A_382 : vector<1x64x512xf32> to vector<64x512xf32>
    %swap3A_384 = vector.shape_cast %mul3A_378 : vector<64x512xf32> to vector<1x64x512xf32>
    tpu.vector_store %arg20[%swap3A_379, %swap3A_380, %swap3A_381], %swap3A_384 {strides = array<i32>} : memref<1x64x512xf32, #tpu.memory_space<vmem>>, vector<1x64x512xf32>,
    %broadcast_in_dim3A_385 = vector.shape_cast %logistic3A_346 : vector<64x1xf32> to vector<64x1xf32>
    %broadcast_in_dim3A_386 = vector.broadcast %broadcast_in_dim3A_385 : vector<64x1xf32> to vector<64x128xf32>
    %swap3A_387 = arith.constant 0 : index
    %swap3A_388 = arith.constant 0 : index
    %swap3A_389 = arith.constant 0 : index
    %swap3A_390 = vector.load %arg21[%swap3A_387, %swap3A_388, %swap3A_389] : memref<1x64x128xf32, #tpu.memory_space<vmem>>, vector<1x64x128xf32>
    %swap3A_391 = vector.shape_cast %swap3A_390 : vector<1x64x128xf32> to vector<64x128xf32>
    %swap3A_392 = vector.shape_cast %broadcast_in_dim3A_386 : vector<64x128xf32> to vector<1x64x128xf32>
    tpu.vector_store %arg21[%swap3A_387, %swap3A_388, %swap3A_389], %swap3A_392 {strides = array<i32>} : memref<1x64x128xf32, #tpu.memory_space<vmem>>, vector<1x64x128xf32>,
    return
  }
  func.func @transform_0(%arg0: i32) -> (i32, i32, i32) {
    %c0_i32 = arith.constant 0 : i32
    %c0_i32_0 = arith.constant 0 : i32
    %c0_i32_1 = arith.constant 0 : i32
    return %arg0, %c0_i32, %c0_i32_0 : i32, i32, i32
  }
  func.func @transform_1(%arg0: i32) -> (i32, i32, i32) {
    %c0_i32 = arith.constant 0 : i32
    %c0_i32_0 = arith.constant 0 : i32
    %c0_i32_1 = arith.constant 0 : i32
    return %arg0, %c0_i32, %c0_i32_0 : i32, i32, i32
  }
  func.func @transform_2(%arg0: i32) -> (i32, i32, i32) {
    %add3A = arith.constant 8 : i32
    %add3A_0 = arith.addi %arg0, %add3A : i32
    %c0_i32 = arith.constant 0 : i32
    %c0_i32_1 = arith.constant 0 : i32
    %c0_i32_2 = arith.constant 0 : i32
    return %add3A_0, %c0_i32, %c0_i32_1 : i32, i32, i32
  }
  func.func @transform_3(%arg0: i32) -> (i32, i32, i32) {
    %c0_i32 = arith.constant 0 : i32
    %c0_i32_0 = arith.constant 0 : i32
    %c0_i32_1 = arith.constant 0 : i32
    return %arg0, %c0_i32, %c0_i32_0 : i32, i32, i32
  }
  func.func @transform_4(%arg0: i32) -> (i32, i32, i32, i32) {
    %c0_i32 = arith.constant 0 : i32
    %c0_i32_0 = arith.constant 0 : i32
    %c0_i32_1 = arith.constant 0 : i32
    %c0_i32_2 = arith.constant 0 : i32
    return %arg0, %c0_i32, %c0_i32_0, %c0_i32_1 : i32, i32, i32, i32
  }
  func.func @transform_5(%arg0: i32) -> (i32, i32) {
    %c0_i32 = arith.constant 0 : i32
    %c0_i32_0 = arith.constant 0 : i32
    %c0_i32_1 = arith.constant 0 : i32
    return %c0_i32, %c0_i32_0 : i32, i32
  }
  func.func @transform_6(%arg0: i32) -> (i32, i32) {
    %c0_i32 = arith.constant 0 : i32
    %c0_i32_0 = arith.constant 0 : i32
    %c0_i32_1 = arith.constant 0 : i32
    return %c0_i32, %c0_i32_0 : i32, i32
  }
  func.func @transform_7(%arg0: i32) -> (i32, i32) {
    %c0_i32 = arith.constant 0 : i32
    %c0_i32_0 = arith.constant 0 : i32
    %c0_i32_1 = arith.constant 0 : i32
    return %c0_i32, %c0_i32_0 : i32, i32
  }
  func.func @transform_8(%arg0: i32) -> (i32, i32) {
    %c0_i32 = arith.constant 0 : i32
    %c0_i32_0 = arith.constant 0 : i32
    %c0_i32_1 = arith.constant 0 : i32
    return %c0_i32, %c0_i32_0 : i32, i32
  }
  func.func @transform_9(%arg0: i32) -> (i32, i32) {
    %c0_i32 = arith.constant 0 : i32
    %c0_i32_0 = arith.constant 0 : i32
    %c0_i32_1 = arith.constant 0 : i32
    return %c0_i32, %c0_i32_0 : i32, i32
  }
  func.func @transform_10(%arg0: i32) -> (i32, i32) {
    %c0_i32 = arith.constant 0 : i32
    %c0_i32_0 = arith.constant 0 : i32
    %c0_i32_1 = arith.constant 0 : i32
    return %c0_i32, %c0_i32_0 : i32, i32
  }
  func.func @transform_11(%arg0: i32) -> (i32, i32) {
    %c0_i32 = arith.constant 0 : i32
    %c0_i32_0 = arith.constant 0 : i32
    %c0_i32_1 = arith.constant 0 : i32
    return %c0_i32, %c0_i32_0 : i32, i32
  }
  func.func @transform_12(%arg0: i32) -> (i32, i32) {
    %c0_i32 = arith.constant 0 : i32
    %c0_i32_0 = arith.constant 0 : i32
    %c0_i32_1 = arith.constant 0 : i32
    return %c0_i32, %c0_i32_0 : i32, i32
  }
  func.func @transform_13(%arg0: i32) -> (i32, i32) {
    %c0_i32 = arith.constant 0 : i32
    %c0_i32_0 = arith.constant 0 : i32
    %c0_i32_1 = arith.constant 0 : i32
    return %c0_i32, %c0_i32_0 : i32, i32
  }
  func.func @transform_14(%arg0: i32) -> (i32, i32) {
    %c0_i32 = arith.constant 0 : i32
    %c0_i32_0 = arith.constant 0 : i32
    %c0_i32_1 = arith.constant 0 : i32
    return %c0_i32, %c0_i32_0 : i32, i32
  }
  func.func @transform_15(%arg0: i32) -> (i32, i32) {
    %c0_i32 = arith.constant 0 : i32
    %c0_i32_0 = arith.constant 0 : i32
    %c0_i32_1 = arith.constant 0 : i32
    return %c0_i32, %c0_i32_0 : i32, i32
  }
  func.func @transform_16(%arg0: i32) -> (i32, i32) {
    %c0_i32 = arith.constant 0 : i32
    %c0_i32_0 = arith.constant 0 : i32
    %c0_i32_1 = arith.constant 0 : i32
    return %c0_i32, %c0_i32_0 : i32, i32
  }
  func.func @transform_17(%arg0: i32) -> (i32, i32, i32) {
    %c0_i32 = arith.constant 0 : i32
    %c0_i32_0 = arith.constant 0 : i32
    %c0_i32_1 = arith.constant 0 : i32
    return %arg0, %c0_i32, %c0_i32_0 : i32, i32, i32
  }
  func.func @transform_18(%arg0: i32) -> (i32, i32, i32) {
    %c0_i32 = arith.constant 0 : i32
    %c0_i32_0 = arith.constant 0 : i32
    %c0_i32_1 = arith.constant 0 : i32
    return %arg0, %c0_i32, %c0_i32_0 : i32, i32, i32
  }
  func.func @transform_19(%arg0: i32) -> (i32, i32, i32) {
    %c0_i32 = arith.constant 0 : i32
    %c0_i32_0 = arith.constant 0 : i32
    %c0_i32_1 = arith.constant 0 : i32
    return %arg0, %c0_i32, %c0_i32_0 : i32, i32, i32
  }
  func.func @transform_20(%arg0: i32) -> (i32, i32, i32) {
    %c0_i32 = arith.constant 0 : i32
    %c0_i32_0 = arith.constant 0 : i32
    %c0_i32_1 = arith.constant 0 : i32
    return %arg0, %c0_i32, %c0_i32_0 : i32, i32, i32
  }
}

module attributes {stable_mosaic.version = 14 : i64} {
  func.func @_pass2_kernel(%arg0: i32, %arg1: memref<512x2048xbf16, #tpu.memory_space<vmem>>, %arg2: memref<512x128xf32, #tpu.memory_space<vmem>>, %arg3: memref<512x128xf32, #tpu.memory_space<vmem>>, %arg4: memref<8x64x128xf32, #tpu.memory_space<vmem>>, %arg5: memref<8x1x128xi32, #tpu.memory_space<vmem>>, %arg6: memref<8x64x512xf32, #tpu.memory_space<vmem>>, %arg7: memref<8x1x512xi32, #tpu.memory_space<vmem>>, %arg8: memref<512x2048xf32, #tpu.memory_space<vmem>>) attributes {dimension_semantics = [#tpu.dimension_semantics<arbitrary>], iteration_bounds = array<i64: 25>, scalar_prefetch = 0 : i64, scratch_operands = 0 : i64, tpu.core_type = #tpu.core_type<tc>, window_params = [{transform_indices = @transform_0, window_bounds = array<i64: 512, 2048>}, {pipeline_mode = #tpu.pipeline_mode<synchronous>, transform_indices = @transform_1, window_bounds = array<i64: 512, 128>}, {pipeline_mode = #tpu.pipeline_mode<synchronous>, transform_indices = @transform_2, window_bounds = array<i64: 512, 128>}, {pipeline_mode = #tpu.pipeline_mode<synchronous>, transform_indices = @transform_3, window_bounds = array<i64: 8, 64, 128>}, {pipeline_mode = #tpu.pipeline_mode<synchronous>, transform_indices = @transform_4, window_bounds = array<i64: 8, 1, 128>}, {pipeline_mode = #tpu.pipeline_mode<synchronous>, transform_indices = @transform_5, window_bounds = array<i64: 8, 64, 512>}, {pipeline_mode = #tpu.pipeline_mode<synchronous>, transform_indices = @transform_6, window_bounds = array<i64: 8, 1, 512>}, {transform_indices = @transform_7, window_bounds = array<i64: 512, 2048>}]} {
    %get3A = arith.constant 0 : index
    %get3A_0 = arith.constant 0 : index
    %get3A_1 = vector.load %arg2[%get3A, %get3A_0] : memref<512x128xf32, #tpu.memory_space<vmem>>, vector<512x128xf32>
    %slice3A = vector.extract_strided_slice %get3A_1 {offsets = [0, 0], sizes = [512, 1], strides = [1, 1]} : vector<512x128xf32> to vector<512x1xf32>
    %get3A_2 = arith.constant 0 : index
    %get3A_3 = arith.constant 0 : index
    %get3A_4 = vector.load %arg1[%get3A_2, %get3A_3] : memref<512x2048xbf16, #tpu.memory_space<vmem>>, vector<512x2048xbf16>
    %convert_element_type3A = arith.extf %get3A_4 : vector<512x2048xbf16> to vector<512x2048xf32>
    %mul3A = vector.broadcast %slice3A : vector<512x1xf32> to vector<512x2048xf32>
    %mul3A_5 = arith.mulf %mul3A, %convert_element_type3A : vector<512x2048xf32>
    %get3A_6 = arith.constant 0 : index
    %get3A_7 = arith.constant 0 : index
    %get3A_8 = vector.load %arg3[%get3A_6, %get3A_7] : memref<512x128xf32, #tpu.memory_space<vmem>>, vector<512x128xf32>
    %slice3A_9 = vector.extract_strided_slice %get3A_8 {offsets = [0, 0], sizes = [512, 1], strides = [1, 1]} : vector<512x128xf32> to vector<512x1xf32>
    %mul3A_10 = arith.constant 2048 : i32
    %mul3A_11 = arith.muli %arg0, %mul3A_10 : i32
    %iota3A = tpu.iota {dimensions = array<i32: 1>} : vector<128x2048xi32>
    %add3A = vector.broadcast %mul3A_11 : i32 to vector<128x2048xi32>
    %add3A_12 = arith.addi %add3A, %iota3A : vector<128x2048xi32>
    %mul3A_13 = arith.constant 2048 : i32
    %mul3A_14 = arith.muli %arg0, %mul3A_13 : i32
    %iota3A_15 = tpu.iota {dimensions = array<i32: 1>} : vector<512x2048xi32>
    %add3A_16 = vector.broadcast %mul3A_14 : i32 to vector<512x2048xi32>
    %add3A_17 = arith.addi %add3A_16, %iota3A_15 : vector<512x2048xi32>
    %get3A_18 = arith.constant 0 : index
    %get3A_19 = arith.constant 0 : index
    %get3A_20 = arith.constant 0 : index
    %get3A_21 = vector.load %arg5[%get3A_18, %get3A_19, %get3A_20] : memref<8x1x128xi32, #tpu.memory_space<vmem>>, vector<1x1x128xi32>
    %get3A_22 = vector.shape_cast %get3A_21 : vector<1x1x128xi32> to vector<1x128xi32>
    %reshape3A = vector.shape_cast %get3A_22 : vector<1x128xi32> to vector<128x1xi32>
    %eq3A = vector.broadcast %reshape3A : vector<128x1xi32> to vector<128x2048xi32>
    %eq3A_23 = arith.cmpi eq, %eq3A, %add3A_12 : vector<128x2048xi32>
    %convert_element_type3A_24 = arith.extui %eq3A_23 : vector<128x2048xi1> to vector<128x2048xi32>
    %convert_element_type3A_25 = arith.sitofp %convert_element_type3A_24 : vector<128x2048xi32> to vector<128x2048xf32>
    %convert_element_type3A_26 = arith.truncf %convert_element_type3A_25 : vector<128x2048xf32> to vector<128x2048xbf16>
    %get3A_27 = arith.constant 0 : index
    %get3A_28 = arith.constant 0 : index
    %get3A_29 = arith.constant 0 : index
    %get3A_30 = vector.load %arg7[%get3A_27, %get3A_28, %get3A_29] : memref<8x1x512xi32, #tpu.memory_space<vmem>>, vector<1x1x512xi32>
    %get3A_31 = vector.shape_cast %get3A_30 : vector<1x1x512xi32> to vector<1x512xi32>
    %reshape3A_32 = vector.shape_cast %get3A_31 : vector<1x512xi32> to vector<512x1xi32>
    %eq3A_33 = vector.broadcast %reshape3A_32 : vector<512x1xi32> to vector<512x2048xi32>
    %eq3A_34 = arith.cmpi eq, %eq3A_33, %add3A_17 : vector<512x2048xi32>
    %convert_element_type3A_35 = arith.extui %eq3A_34 : vector<512x2048xi1> to vector<512x2048xi32>
    %convert_element_type3A_36 = arith.sitofp %convert_element_type3A_35 : vector<512x2048xi32> to vector<512x2048xf32>
    %convert_element_type3A_37 = arith.truncf %convert_element_type3A_36 : vector<512x2048xf32> to vector<512x2048xbf16>
    %get3A_38 = arith.constant 0 : index
    %get3A_39 = arith.constant 0 : index
    %get3A_40 = arith.constant 0 : index
    %get3A_41 = vector.load %arg4[%get3A_38, %get3A_39, %get3A_40] : memref<8x64x128xf32, #tpu.memory_space<vmem>>, vector<1x64x128xf32>
    %get3A_42 = vector.shape_cast %get3A_41 : vector<1x64x128xf32> to vector<64x128xf32>
    %convert_element_type3A_43 = arith.truncf %get3A_42 : vector<64x128xf32> to vector<64x128xbf16>
    %dot_general3A = arith.constant dense<0.000000e+00> : vector<64x2048xf32>
    %dot_general3A_44 = tpu.matmul %convert_element_type3A_43, %convert_element_type3A_26, %dot_general3A {dimension_numbers = #tpu.dot_dimension_numbers<[1], [0], [0], [1], [0, 0, 1, 1], [], []>, transpose_lhs_hint = false} : vector<64x128xbf16>, vector<128x2048xbf16>, vector<64x2048xf32> -> vector<64x2048xf32>
    %get3A_45 = arith.constant 0 : index
    %get3A_46 = arith.constant 0 : index
    %get3A_47 = arith.constant 0 : index
    %get3A_48 = vector.load %arg6[%get3A_45, %get3A_46, %get3A_47] : memref<8x64x512xf32, #tpu.memory_space<vmem>>, vector<1x64x512xf32>
    %get3A_49 = vector.shape_cast %get3A_48 : vector<1x64x512xf32> to vector<64x512xf32>
    %convert_element_type3A_50 = arith.truncf %get3A_49 : vector<64x512xf32> to vector<64x512xbf16>
    %dot_general3A_51 = arith.constant dense<0.000000e+00> : vector<64x2048xf32>
    %dot_general3A_52 = tpu.matmul %convert_element_type3A_50, %convert_element_type3A_37, %dot_general3A_51 {dimension_numbers = #tpu.dot_dimension_numbers<[1], [0], [0], [1], [0, 0, 1, 1], [], []>, transpose_lhs_hint = false} : vector<64x512xbf16>, vector<512x2048xbf16>, vector<64x2048xf32> -> vector<64x2048xf32>
    %slice3A_53 = vector.extract_strided_slice %slice3A_9 {offsets = [0, 0], sizes = [64, 1], strides = [1, 1]} : vector<512x1xf32> to vector<64x1xf32>
    %mul3A_54 = vector.broadcast %slice3A_53 : vector<64x1xf32> to vector<64x2048xf32>
    %mul3A_55 = arith.mulf %mul3A_54, %dot_general3A_44 : vector<64x2048xf32>
    %add3A_56 = arith.addf %mul3A_55, %dot_general3A_52 : vector<64x2048xf32>
    %get3A_57 = arith.constant 1 : index
    %get3A_58 = arith.constant 0 : index
    %get3A_59 = arith.constant 0 : index
    %get3A_60 = vector.load %arg5[%get3A_57, %get3A_58, %get3A_59] : memref<8x1x128xi32, #tpu.memory_space<vmem>>, vector<1x1x128xi32>
    %get3A_61 = vector.shape_cast %get3A_60 : vector<1x1x128xi32> to vector<1x128xi32>
    %reshape3A_62 = vector.shape_cast %get3A_61 : vector<1x128xi32> to vector<128x1xi32>
    %eq3A_63 = vector.broadcast %reshape3A_62 : vector<128x1xi32> to vector<128x2048xi32>
    %eq3A_64 = arith.cmpi eq, %eq3A_63, %add3A_12 : vector<128x2048xi32>
    %convert_element_type3A_65 = arith.extui %eq3A_64 : vector<128x2048xi1> to vector<128x2048xi32>
    %convert_element_type3A_66 = arith.sitofp %convert_element_type3A_65 : vector<128x2048xi32> to vector<128x2048xf32>
    %convert_element_type3A_67 = arith.truncf %convert_element_type3A_66 : vector<128x2048xf32> to vector<128x2048xbf16>
    %get3A_68 = arith.constant 1 : index
    %get3A_69 = arith.constant 0 : index
    %get3A_70 = arith.constant 0 : index
    %get3A_71 = vector.load %arg7[%get3A_68, %get3A_69, %get3A_70] : memref<8x1x512xi32, #tpu.memory_space<vmem>>, vector<1x1x512xi32>
    %get3A_72 = vector.shape_cast %get3A_71 : vector<1x1x512xi32> to vector<1x512xi32>
    %reshape3A_73 = vector.shape_cast %get3A_72 : vector<1x512xi32> to vector<512x1xi32>
    %eq3A_74 = vector.broadcast %reshape3A_73 : vector<512x1xi32> to vector<512x2048xi32>
    %eq3A_75 = arith.cmpi eq, %eq3A_74, %add3A_17 : vector<512x2048xi32>
    %convert_element_type3A_76 = arith.extui %eq3A_75 : vector<512x2048xi1> to vector<512x2048xi32>
    %convert_element_type3A_77 = arith.sitofp %convert_element_type3A_76 : vector<512x2048xi32> to vector<512x2048xf32>
    %convert_element_type3A_78 = arith.truncf %convert_element_type3A_77 : vector<512x2048xf32> to vector<512x2048xbf16>
    %get3A_79 = arith.constant 1 : index
    %get3A_80 = arith.constant 0 : index
    %get3A_81 = arith.constant 0 : index
    %get3A_82 = vector.load %arg4[%get3A_79, %get3A_80, %get3A_81] : memref<8x64x128xf32, #tpu.memory_space<vmem>>, vector<1x64x128xf32>
    %get3A_83 = vector.shape_cast %get3A_82 : vector<1x64x128xf32> to vector<64x128xf32>
    %convert_element_type3A_84 = arith.truncf %get3A_83 : vector<64x128xf32> to vector<64x128xbf16>
    %dot_general3A_85 = arith.constant dense<0.000000e+00> : vector<64x2048xf32>
    %dot_general3A_86 = tpu.matmul %convert_element_type3A_84, %convert_element_type3A_67, %dot_general3A_85 {dimension_numbers = #tpu.dot_dimension_numbers<[1], [0], [0], [1], [0, 0, 1, 1], [], []>, transpose_lhs_hint = false} : vector<64x128xbf16>, vector<128x2048xbf16>, vector<64x2048xf32> -> vector<64x2048xf32>
    %get3A_87 = arith.constant 1 : index
    %get3A_88 = arith.constant 0 : index
    %get3A_89 = arith.constant 0 : index
    %get3A_90 = vector.load %arg6[%get3A_87, %get3A_88, %get3A_89] : memref<8x64x512xf32, #tpu.memory_space<vmem>>, vector<1x64x512xf32>
    %get3A_91 = vector.shape_cast %get3A_90 : vector<1x64x512xf32> to vector<64x512xf32>
    %convert_element_type3A_92 = arith.truncf %get3A_91 : vector<64x512xf32> to vector<64x512xbf16>
    %dot_general3A_93 = arith.constant dense<0.000000e+00> : vector<64x2048xf32>
    %dot_general3A_94 = tpu.matmul %convert_element_type3A_92, %convert_element_type3A_78, %dot_general3A_93 {dimension_numbers = #tpu.dot_dimension_numbers<[1], [0], [0], [1], [0, 0, 1, 1], [], []>, transpose_lhs_hint = false} : vector<64x512xbf16>, vector<512x2048xbf16>, vector<64x2048xf32> -> vector<64x2048xf32>
    %slice3A_95 = vector.extract_strided_slice %slice3A_9 {offsets = [64, 0], sizes = [64, 1], strides = [1, 1]} : vector<512x1xf32> to vector<64x1xf32>
    %mul3A_96 = vector.broadcast %slice3A_95 : vector<64x1xf32> to vector<64x2048xf32>
    %mul3A_97 = arith.mulf %mul3A_96, %dot_general3A_86 : vector<64x2048xf32>
    %add3A_98 = arith.addf %mul3A_97, %dot_general3A_94 : vector<64x2048xf32>
    %get3A_99 = arith.constant 2 : index
    %get3A_100 = arith.constant 0 : index
    %get3A_101 = arith.constant 0 : index
    %get3A_102 = vector.load %arg5[%get3A_99, %get3A_100, %get3A_101] : memref<8x1x128xi32, #tpu.memory_space<vmem>>, vector<1x1x128xi32>
    %get3A_103 = vector.shape_cast %get3A_102 : vector<1x1x128xi32> to vector<1x128xi32>
    %reshape3A_104 = vector.shape_cast %get3A_103 : vector<1x128xi32> to vector<128x1xi32>
    %eq3A_105 = vector.broadcast %reshape3A_104 : vector<128x1xi32> to vector<128x2048xi32>
    %eq3A_106 = arith.cmpi eq, %eq3A_105, %add3A_12 : vector<128x2048xi32>
    %convert_element_type3A_107 = arith.extui %eq3A_106 : vector<128x2048xi1> to vector<128x2048xi32>
    %convert_element_type3A_108 = arith.sitofp %convert_element_type3A_107 : vector<128x2048xi32> to vector<128x2048xf32>
    %convert_element_type3A_109 = arith.truncf %convert_element_type3A_108 : vector<128x2048xf32> to vector<128x2048xbf16>
    %get3A_110 = arith.constant 2 : index
    %get3A_111 = arith.constant 0 : index
    %get3A_112 = arith.constant 0 : index
    %get3A_113 = vector.load %arg7[%get3A_110, %get3A_111, %get3A_112] : memref<8x1x512xi32, #tpu.memory_space<vmem>>, vector<1x1x512xi32>
    %get3A_114 = vector.shape_cast %get3A_113 : vector<1x1x512xi32> to vector<1x512xi32>
    %reshape3A_115 = vector.shape_cast %get3A_114 : vector<1x512xi32> to vector<512x1xi32>
    %eq3A_116 = vector.broadcast %reshape3A_115 : vector<512x1xi32> to vector<512x2048xi32>
    %eq3A_117 = arith.cmpi eq, %eq3A_116, %add3A_17 : vector<512x2048xi32>
    %convert_element_type3A_118 = arith.extui %eq3A_117 : vector<512x2048xi1> to vector<512x2048xi32>
    %convert_element_type3A_119 = arith.sitofp %convert_element_type3A_118 : vector<512x2048xi32> to vector<512x2048xf32>
    %convert_element_type3A_120 = arith.truncf %convert_element_type3A_119 : vector<512x2048xf32> to vector<512x2048xbf16>
    %get3A_121 = arith.constant 2 : index
    %get3A_122 = arith.constant 0 : index
    %get3A_123 = arith.constant 0 : index
    %get3A_124 = vector.load %arg4[%get3A_121, %get3A_122, %get3A_123] : memref<8x64x128xf32, #tpu.memory_space<vmem>>, vector<1x64x128xf32>
    %get3A_125 = vector.shape_cast %get3A_124 : vector<1x64x128xf32> to vector<64x128xf32>
    %convert_element_type3A_126 = arith.truncf %get3A_125 : vector<64x128xf32> to vector<64x128xbf16>
    %dot_general3A_127 = arith.constant dense<0.000000e+00> : vector<64x2048xf32>
    %dot_general3A_128 = tpu.matmul %convert_element_type3A_126, %convert_element_type3A_109, %dot_general3A_127 {dimension_numbers = #tpu.dot_dimension_numbers<[1], [0], [0], [1], [0, 0, 1, 1], [], []>, transpose_lhs_hint = false} : vector<64x128xbf16>, vector<128x2048xbf16>, vector<64x2048xf32> -> vector<64x2048xf32>
    %get3A_129 = arith.constant 2 : index
    %get3A_130 = arith.constant 0 : index
    %get3A_131 = arith.constant 0 : index
    %get3A_132 = vector.load %arg6[%get3A_129, %get3A_130, %get3A_131] : memref<8x64x512xf32, #tpu.memory_space<vmem>>, vector<1x64x512xf32>
    %get3A_133 = vector.shape_cast %get3A_132 : vector<1x64x512xf32> to vector<64x512xf32>
    %convert_element_type3A_134 = arith.truncf %get3A_133 : vector<64x512xf32> to vector<64x512xbf16>
    %dot_general3A_135 = arith.constant dense<0.000000e+00> : vector<64x2048xf32>
    %dot_general3A_136 = tpu.matmul %convert_element_type3A_134, %convert_element_type3A_120, %dot_general3A_135 {dimension_numbers = #tpu.dot_dimension_numbers<[1], [0], [0], [1], [0, 0, 1, 1], [], []>, transpose_lhs_hint = false} : vector<64x512xbf16>, vector<512x2048xbf16>, vector<64x2048xf32> -> vector<64x2048xf32>
    %slice3A_137 = vector.extract_strided_slice %slice3A_9 {offsets = [128, 0], sizes = [64, 1], strides = [1, 1]} : vector<512x1xf32> to vector<64x1xf32>
    %mul3A_138 = vector.broadcast %slice3A_137 : vector<64x1xf32> to vector<64x2048xf32>
    %mul3A_139 = arith.mulf %mul3A_138, %dot_general3A_128 : vector<64x2048xf32>
    %add3A_140 = arith.addf %mul3A_139, %dot_general3A_136 : vector<64x2048xf32>
    %get3A_141 = arith.constant 3 : index
    %get3A_142 = arith.constant 0 : index
    %get3A_143 = arith.constant 0 : index
    %get3A_144 = vector.load %arg5[%get3A_141, %get3A_142, %get3A_143] : memref<8x1x128xi32, #tpu.memory_space<vmem>>, vector<1x1x128xi32>
    %get3A_145 = vector.shape_cast %get3A_144 : vector<1x1x128xi32> to vector<1x128xi32>
    %reshape3A_146 = vector.shape_cast %get3A_145 : vector<1x128xi32> to vector<128x1xi32>
    %eq3A_147 = vector.broadcast %reshape3A_146 : vector<128x1xi32> to vector<128x2048xi32>
    %eq3A_148 = arith.cmpi eq, %eq3A_147, %add3A_12 : vector<128x2048xi32>
    %convert_element_type3A_149 = arith.extui %eq3A_148 : vector<128x2048xi1> to vector<128x2048xi32>
    %convert_element_type3A_150 = arith.sitofp %convert_element_type3A_149 : vector<128x2048xi32> to vector<128x2048xf32>
    %convert_element_type3A_151 = arith.truncf %convert_element_type3A_150 : vector<128x2048xf32> to vector<128x2048xbf16>
    %get3A_152 = arith.constant 3 : index
    %get3A_153 = arith.constant 0 : index
    %get3A_154 = arith.constant 0 : index
    %get3A_155 = vector.load %arg7[%get3A_152, %get3A_153, %get3A_154] : memref<8x1x512xi32, #tpu.memory_space<vmem>>, vector<1x1x512xi32>
    %get3A_156 = vector.shape_cast %get3A_155 : vector<1x1x512xi32> to vector<1x512xi32>
    %reshape3A_157 = vector.shape_cast %get3A_156 : vector<1x512xi32> to vector<512x1xi32>
    %eq3A_158 = vector.broadcast %reshape3A_157 : vector<512x1xi32> to vector<512x2048xi32>
    %eq3A_159 = arith.cmpi eq, %eq3A_158, %add3A_17 : vector<512x2048xi32>
    %convert_element_type3A_160 = arith.extui %eq3A_159 : vector<512x2048xi1> to vector<512x2048xi32>
    %convert_element_type3A_161 = arith.sitofp %convert_element_type3A_160 : vector<512x2048xi32> to vector<512x2048xf32>
    %convert_element_type3A_162 = arith.truncf %convert_element_type3A_161 : vector<512x2048xf32> to vector<512x2048xbf16>
    %get3A_163 = arith.constant 3 : index
    %get3A_164 = arith.constant 0 : index
    %get3A_165 = arith.constant 0 : index
    %get3A_166 = vector.load %arg4[%get3A_163, %get3A_164, %get3A_165] : memref<8x64x128xf32, #tpu.memory_space<vmem>>, vector<1x64x128xf32>
    %get3A_167 = vector.shape_cast %get3A_166 : vector<1x64x128xf32> to vector<64x128xf32>
    %convert_element_type3A_168 = arith.truncf %get3A_167 : vector<64x128xf32> to vector<64x128xbf16>
    %dot_general3A_169 = arith.constant dense<0.000000e+00> : vector<64x2048xf32>
    %dot_general3A_170 = tpu.matmul %convert_element_type3A_168, %convert_element_type3A_151, %dot_general3A_169 {dimension_numbers = #tpu.dot_dimension_numbers<[1], [0], [0], [1], [0, 0, 1, 1], [], []>, transpose_lhs_hint = false} : vector<64x128xbf16>, vector<128x2048xbf16>, vector<64x2048xf32> -> vector<64x2048xf32>
    %get3A_171 = arith.constant 3 : index
    %get3A_172 = arith.constant 0 : index
    %get3A_173 = arith.constant 0 : index
    %get3A_174 = vector.load %arg6[%get3A_171, %get3A_172, %get3A_173] : memref<8x64x512xf32, #tpu.memory_space<vmem>>, vector<1x64x512xf32>
    %get3A_175 = vector.shape_cast %get3A_174 : vector<1x64x512xf32> to vector<64x512xf32>
    %convert_element_type3A_176 = arith.truncf %get3A_175 : vector<64x512xf32> to vector<64x512xbf16>
    %dot_general3A_177 = arith.constant dense<0.000000e+00> : vector<64x2048xf32>
    %dot_general3A_178 = tpu.matmul %convert_element_type3A_176, %convert_element_type3A_162, %dot_general3A_177 {dimension_numbers = #tpu.dot_dimension_numbers<[1], [0], [0], [1], [0, 0, 1, 1], [], []>, transpose_lhs_hint = false} : vector<64x512xbf16>, vector<512x2048xbf16>, vector<64x2048xf32> -> vector<64x2048xf32>
    %slice3A_179 = vector.extract_strided_slice %slice3A_9 {offsets = [192, 0], sizes = [64, 1], strides = [1, 1]} : vector<512x1xf32> to vector<64x1xf32>
    %mul3A_180 = vector.broadcast %slice3A_179 : vector<64x1xf32> to vector<64x2048xf32>
    %mul3A_181 = arith.mulf %mul3A_180, %dot_general3A_170 : vector<64x2048xf32>
    %add3A_182 = arith.addf %mul3A_181, %dot_general3A_178 : vector<64x2048xf32>
    %get3A_183 = arith.constant 4 : index
    %get3A_184 = arith.constant 0 : index
    %get3A_185 = arith.constant 0 : index
    %get3A_186 = vector.load %arg5[%get3A_183, %get3A_184, %get3A_185] : memref<8x1x128xi32, #tpu.memory_space<vmem>>, vector<1x1x128xi32>
    %get3A_187 = vector.shape_cast %get3A_186 : vector<1x1x128xi32> to vector<1x128xi32>
    %reshape3A_188 = vector.shape_cast %get3A_187 : vector<1x128xi32> to vector<128x1xi32>
    %eq3A_189 = vector.broadcast %reshape3A_188 : vector<128x1xi32> to vector<128x2048xi32>
    %eq3A_190 = arith.cmpi eq, %eq3A_189, %add3A_12 : vector<128x2048xi32>
    %convert_element_type3A_191 = arith.extui %eq3A_190 : vector<128x2048xi1> to vector<128x2048xi32>
    %convert_element_type3A_192 = arith.sitofp %convert_element_type3A_191 : vector<128x2048xi32> to vector<128x2048xf32>
    %convert_element_type3A_193 = arith.truncf %convert_element_type3A_192 : vector<128x2048xf32> to vector<128x2048xbf16>
    %get3A_194 = arith.constant 4 : index
    %get3A_195 = arith.constant 0 : index
    %get3A_196 = arith.constant 0 : index
    %get3A_197 = vector.load %arg7[%get3A_194, %get3A_195, %get3A_196] : memref<8x1x512xi32, #tpu.memory_space<vmem>>, vector<1x1x512xi32>
    %get3A_198 = vector.shape_cast %get3A_197 : vector<1x1x512xi32> to vector<1x512xi32>
    %reshape3A_199 = vector.shape_cast %get3A_198 : vector<1x512xi32> to vector<512x1xi32>
    %eq3A_200 = vector.broadcast %reshape3A_199 : vector<512x1xi32> to vector<512x2048xi32>
    %eq3A_201 = arith.cmpi eq, %eq3A_200, %add3A_17 : vector<512x2048xi32>
    %convert_element_type3A_202 = arith.extui %eq3A_201 : vector<512x2048xi1> to vector<512x2048xi32>
    %convert_element_type3A_203 = arith.sitofp %convert_element_type3A_202 : vector<512x2048xi32> to vector<512x2048xf32>
    %convert_element_type3A_204 = arith.truncf %convert_element_type3A_203 : vector<512x2048xf32> to vector<512x2048xbf16>
    %get3A_205 = arith.constant 4 : index
    %get3A_206 = arith.constant 0 : index
    %get3A_207 = arith.constant 0 : index
    %get3A_208 = vector.load %arg4[%get3A_205, %get3A_206, %get3A_207] : memref<8x64x128xf32, #tpu.memory_space<vmem>>, vector<1x64x128xf32>
    %get3A_209 = vector.shape_cast %get3A_208 : vector<1x64x128xf32> to vector<64x128xf32>
    %convert_element_type3A_210 = arith.truncf %get3A_209 : vector<64x128xf32> to vector<64x128xbf16>
    %dot_general3A_211 = arith.constant dense<0.000000e+00> : vector<64x2048xf32>
    %dot_general3A_212 = tpu.matmul %convert_element_type3A_210, %convert_element_type3A_193, %dot_general3A_211 {dimension_numbers = #tpu.dot_dimension_numbers<[1], [0], [0], [1], [0, 0, 1, 1], [], []>, transpose_lhs_hint = false} : vector<64x128xbf16>, vector<128x2048xbf16>, vector<64x2048xf32> -> vector<64x2048xf32>
    %get3A_213 = arith.constant 4 : index
    %get3A_214 = arith.constant 0 : index
    %get3A_215 = arith.constant 0 : index
    %get3A_216 = vector.load %arg6[%get3A_213, %get3A_214, %get3A_215] : memref<8x64x512xf32, #tpu.memory_space<vmem>>, vector<1x64x512xf32>
    %get3A_217 = vector.shape_cast %get3A_216 : vector<1x64x512xf32> to vector<64x512xf32>
    %convert_element_type3A_218 = arith.truncf %get3A_217 : vector<64x512xf32> to vector<64x512xbf16>
    %dot_general3A_219 = arith.constant dense<0.000000e+00> : vector<64x2048xf32>
    %dot_general3A_220 = tpu.matmul %convert_element_type3A_218, %convert_element_type3A_204, %dot_general3A_219 {dimension_numbers = #tpu.dot_dimension_numbers<[1], [0], [0], [1], [0, 0, 1, 1], [], []>, transpose_lhs_hint = false} : vector<64x512xbf16>, vector<512x2048xbf16>, vector<64x2048xf32> -> vector<64x2048xf32>
    %slice3A_221 = vector.extract_strided_slice %slice3A_9 {offsets = [256, 0], sizes = [64, 1], strides = [1, 1]} : vector<512x1xf32> to vector<64x1xf32>
    %mul3A_222 = vector.broadcast %slice3A_221 : vector<64x1xf32> to vector<64x2048xf32>
    %mul3A_223 = arith.mulf %mul3A_222, %dot_general3A_212 : vector<64x2048xf32>
    %add3A_224 = arith.addf %mul3A_223, %dot_general3A_220 : vector<64x2048xf32>
    %get3A_225 = arith.constant 5 : index
    %get3A_226 = arith.constant 0 : index
    %get3A_227 = arith.constant 0 : index
    %get3A_228 = vector.load %arg5[%get3A_225, %get3A_226, %get3A_227] : memref<8x1x128xi32, #tpu.memory_space<vmem>>, vector<1x1x128xi32>
    %get3A_229 = vector.shape_cast %get3A_228 : vector<1x1x128xi32> to vector<1x128xi32>
    %reshape3A_230 = vector.shape_cast %get3A_229 : vector<1x128xi32> to vector<128x1xi32>
    %eq3A_231 = vector.broadcast %reshape3A_230 : vector<128x1xi32> to vector<128x2048xi32>
    %eq3A_232 = arith.cmpi eq, %eq3A_231, %add3A_12 : vector<128x2048xi32>
    %convert_element_type3A_233 = arith.extui %eq3A_232 : vector<128x2048xi1> to vector<128x2048xi32>
    %convert_element_type3A_234 = arith.sitofp %convert_element_type3A_233 : vector<128x2048xi32> to vector<128x2048xf32>
    %convert_element_type3A_235 = arith.truncf %convert_element_type3A_234 : vector<128x2048xf32> to vector<128x2048xbf16>
    %get3A_236 = arith.constant 5 : index
    %get3A_237 = arith.constant 0 : index
    %get3A_238 = arith.constant 0 : index
    %get3A_239 = vector.load %arg7[%get3A_236, %get3A_237, %get3A_238] : memref<8x1x512xi32, #tpu.memory_space<vmem>>, vector<1x1x512xi32>
    %get3A_240 = vector.shape_cast %get3A_239 : vector<1x1x512xi32> to vector<1x512xi32>
    %reshape3A_241 = vector.shape_cast %get3A_240 : vector<1x512xi32> to vector<512x1xi32>
    %eq3A_242 = vector.broadcast %reshape3A_241 : vector<512x1xi32> to vector<512x2048xi32>
    %eq3A_243 = arith.cmpi eq, %eq3A_242, %add3A_17 : vector<512x2048xi32>
    %convert_element_type3A_244 = arith.extui %eq3A_243 : vector<512x2048xi1> to vector<512x2048xi32>
    %convert_element_type3A_245 = arith.sitofp %convert_element_type3A_244 : vector<512x2048xi32> to vector<512x2048xf32>
    %convert_element_type3A_246 = arith.truncf %convert_element_type3A_245 : vector<512x2048xf32> to vector<512x2048xbf16>
    %get3A_247 = arith.constant 5 : index
    %get3A_248 = arith.constant 0 : index
    %get3A_249 = arith.constant 0 : index
    %get3A_250 = vector.load %arg4[%get3A_247, %get3A_248, %get3A_249] : memref<8x64x128xf32, #tpu.memory_space<vmem>>, vector<1x64x128xf32>
    %get3A_251 = vector.shape_cast %get3A_250 : vector<1x64x128xf32> to vector<64x128xf32>
    %convert_element_type3A_252 = arith.truncf %get3A_251 : vector<64x128xf32> to vector<64x128xbf16>
    %dot_general3A_253 = arith.constant dense<0.000000e+00> : vector<64x2048xf32>
    %dot_general3A_254 = tpu.matmul %convert_element_type3A_252, %convert_element_type3A_235, %dot_general3A_253 {dimension_numbers = #tpu.dot_dimension_numbers<[1], [0], [0], [1], [0, 0, 1, 1], [], []>, transpose_lhs_hint = false} : vector<64x128xbf16>, vector<128x2048xbf16>, vector<64x2048xf32> -> vector<64x2048xf32>
    %get3A_255 = arith.constant 5 : index
    %get3A_256 = arith.constant 0 : index
    %get3A_257 = arith.constant 0 : index
    %get3A_258 = vector.load %arg6[%get3A_255, %get3A_256, %get3A_257] : memref<8x64x512xf32, #tpu.memory_space<vmem>>, vector<1x64x512xf32>
    %get3A_259 = vector.shape_cast %get3A_258 : vector<1x64x512xf32> to vector<64x512xf32>
    %convert_element_type3A_260 = arith.truncf %get3A_259 : vector<64x512xf32> to vector<64x512xbf16>
    %dot_general3A_261 = arith.constant dense<0.000000e+00> : vector<64x2048xf32>
    %dot_general3A_262 = tpu.matmul %convert_element_type3A_260, %convert_element_type3A_246, %dot_general3A_261 {dimension_numbers = #tpu.dot_dimension_numbers<[1], [0], [0], [1], [0, 0, 1, 1], [], []>, transpose_lhs_hint = false} : vector<64x512xbf16>, vector<512x2048xbf16>, vector<64x2048xf32> -> vector<64x2048xf32>
    %slice3A_263 = vector.extract_strided_slice %slice3A_9 {offsets = [320, 0], sizes = [64, 1], strides = [1, 1]} : vector<512x1xf32> to vector<64x1xf32>
    %mul3A_264 = vector.broadcast %slice3A_263 : vector<64x1xf32> to vector<64x2048xf32>
    %mul3A_265 = arith.mulf %mul3A_264, %dot_general3A_254 : vector<64x2048xf32>
    %add3A_266 = arith.addf %mul3A_265, %dot_general3A_262 : vector<64x2048xf32>
    %get3A_267 = arith.constant 6 : index
    %get3A_268 = arith.constant 0 : index
    %get3A_269 = arith.constant 0 : index
    %get3A_270 = vector.load %arg5[%get3A_267, %get3A_268, %get3A_269] : memref<8x1x128xi32, #tpu.memory_space<vmem>>, vector<1x1x128xi32>
    %get3A_271 = vector.shape_cast %get3A_270 : vector<1x1x128xi32> to vector<1x128xi32>
    %reshape3A_272 = vector.shape_cast %get3A_271 : vector<1x128xi32> to vector<128x1xi32>
    %eq3A_273 = vector.broadcast %reshape3A_272 : vector<128x1xi32> to vector<128x2048xi32>
    %eq3A_274 = arith.cmpi eq, %eq3A_273, %add3A_12 : vector<128x2048xi32>
    %convert_element_type3A_275 = arith.extui %eq3A_274 : vector<128x2048xi1> to vector<128x2048xi32>
    %convert_element_type3A_276 = arith.sitofp %convert_element_type3A_275 : vector<128x2048xi32> to vector<128x2048xf32>
    %convert_element_type3A_277 = arith.truncf %convert_element_type3A_276 : vector<128x2048xf32> to vector<128x2048xbf16>
    %get3A_278 = arith.constant 6 : index
    %get3A_279 = arith.constant 0 : index
    %get3A_280 = arith.constant 0 : index
    %get3A_281 = vector.load %arg7[%get3A_278, %get3A_279, %get3A_280] : memref<8x1x512xi32, #tpu.memory_space<vmem>>, vector<1x1x512xi32>
    %get3A_282 = vector.shape_cast %get3A_281 : vector<1x1x512xi32> to vector<1x512xi32>
    %reshape3A_283 = vector.shape_cast %get3A_282 : vector<1x512xi32> to vector<512x1xi32>
    %eq3A_284 = vector.broadcast %reshape3A_283 : vector<512x1xi32> to vector<512x2048xi32>
    %eq3A_285 = arith.cmpi eq, %eq3A_284, %add3A_17 : vector<512x2048xi32>
    %convert_element_type3A_286 = arith.extui %eq3A_285 : vector<512x2048xi1> to vector<512x2048xi32>
    %convert_element_type3A_287 = arith.sitofp %convert_element_type3A_286 : vector<512x2048xi32> to vector<512x2048xf32>
    %convert_element_type3A_288 = arith.truncf %convert_element_type3A_287 : vector<512x2048xf32> to vector<512x2048xbf16>
    %get3A_289 = arith.constant 6 : index
    %get3A_290 = arith.constant 0 : index
    %get3A_291 = arith.constant 0 : index
    %get3A_292 = vector.load %arg4[%get3A_289, %get3A_290, %get3A_291] : memref<8x64x128xf32, #tpu.memory_space<vmem>>, vector<1x64x128xf32>
    %get3A_293 = vector.shape_cast %get3A_292 : vector<1x64x128xf32> to vector<64x128xf32>
    %convert_element_type3A_294 = arith.truncf %get3A_293 : vector<64x128xf32> to vector<64x128xbf16>
    %dot_general3A_295 = arith.constant dense<0.000000e+00> : vector<64x2048xf32>
    %dot_general3A_296 = tpu.matmul %convert_element_type3A_294, %convert_element_type3A_277, %dot_general3A_295 {dimension_numbers = #tpu.dot_dimension_numbers<[1], [0], [0], [1], [0, 0, 1, 1], [], []>, transpose_lhs_hint = false} : vector<64x128xbf16>, vector<128x2048xbf16>, vector<64x2048xf32> -> vector<64x2048xf32>
    %get3A_297 = arith.constant 6 : index
    %get3A_298 = arith.constant 0 : index
    %get3A_299 = arith.constant 0 : index
    %get3A_300 = vector.load %arg6[%get3A_297, %get3A_298, %get3A_299] : memref<8x64x512xf32, #tpu.memory_space<vmem>>, vector<1x64x512xf32>
    %get3A_301 = vector.shape_cast %get3A_300 : vector<1x64x512xf32> to vector<64x512xf32>
    %convert_element_type3A_302 = arith.truncf %get3A_301 : vector<64x512xf32> to vector<64x512xbf16>
    %dot_general3A_303 = arith.constant dense<0.000000e+00> : vector<64x2048xf32>
    %dot_general3A_304 = tpu.matmul %convert_element_type3A_302, %convert_element_type3A_288, %dot_general3A_303 {dimension_numbers = #tpu.dot_dimension_numbers<[1], [0], [0], [1], [0, 0, 1, 1], [], []>, transpose_lhs_hint = false} : vector<64x512xbf16>, vector<512x2048xbf16>, vector<64x2048xf32> -> vector<64x2048xf32>
    %slice3A_305 = vector.extract_strided_slice %slice3A_9 {offsets = [384, 0], sizes = [64, 1], strides = [1, 1]} : vector<512x1xf32> to vector<64x1xf32>
    %mul3A_306 = vector.broadcast %slice3A_305 : vector<64x1xf32> to vector<64x2048xf32>
    %mul3A_307 = arith.mulf %mul3A_306, %dot_general3A_296 : vector<64x2048xf32>
    %add3A_308 = arith.addf %mul3A_307, %dot_general3A_304 : vector<64x2048xf32>
    %get3A_309 = arith.constant 7 : index
    %get3A_310 = arith.constant 0 : index
    %get3A_311 = arith.constant 0 : index
    %get3A_312 = vector.load %arg5[%get3A_309, %get3A_310, %get3A_311] : memref<8x1x128xi32, #tpu.memory_space<vmem>>, vector<1x1x128xi32>
    %get3A_313 = vector.shape_cast %get3A_312 : vector<1x1x128xi32> to vector<1x128xi32>
    %reshape3A_314 = vector.shape_cast %get3A_313 : vector<1x128xi32> to vector<128x1xi32>
    %eq3A_315 = vector.broadcast %reshape3A_314 : vector<128x1xi32> to vector<128x2048xi32>
    %eq3A_316 = arith.cmpi eq, %eq3A_315, %add3A_12 : vector<128x2048xi32>
    %convert_element_type3A_317 = arith.extui %eq3A_316 : vector<128x2048xi1> to vector<128x2048xi32>
    %convert_element_type3A_318 = arith.sitofp %convert_element_type3A_317 : vector<128x2048xi32> to vector<128x2048xf32>
    %convert_element_type3A_319 = arith.truncf %convert_element_type3A_318 : vector<128x2048xf32> to vector<128x2048xbf16>
    %get3A_320 = arith.constant 7 : index
    %get3A_321 = arith.constant 0 : index
    %get3A_322 = arith.constant 0 : index
    %get3A_323 = vector.load %arg7[%get3A_320, %get3A_321, %get3A_322] : memref<8x1x512xi32, #tpu.memory_space<vmem>>, vector<1x1x512xi32>
    %get3A_324 = vector.shape_cast %get3A_323 : vector<1x1x512xi32> to vector<1x512xi32>
    %reshape3A_325 = vector.shape_cast %get3A_324 : vector<1x512xi32> to vector<512x1xi32>
    %eq3A_326 = vector.broadcast %reshape3A_325 : vector<512x1xi32> to vector<512x2048xi32>
    %eq3A_327 = arith.cmpi eq, %eq3A_326, %add3A_17 : vector<512x2048xi32>
    %convert_element_type3A_328 = arith.extui %eq3A_327 : vector<512x2048xi1> to vector<512x2048xi32>
    %convert_element_type3A_329 = arith.sitofp %convert_element_type3A_328 : vector<512x2048xi32> to vector<512x2048xf32>
    %convert_element_type3A_330 = arith.truncf %convert_element_type3A_329 : vector<512x2048xf32> to vector<512x2048xbf16>
    %get3A_331 = arith.constant 7 : index
    %get3A_332 = arith.constant 0 : index
    %get3A_333 = arith.constant 0 : index
    %get3A_334 = vector.load %arg4[%get3A_331, %get3A_332, %get3A_333] : memref<8x64x128xf32, #tpu.memory_space<vmem>>, vector<1x64x128xf32>
    %get3A_335 = vector.shape_cast %get3A_334 : vector<1x64x128xf32> to vector<64x128xf32>
    %convert_element_type3A_336 = arith.truncf %get3A_335 : vector<64x128xf32> to vector<64x128xbf16>
    %dot_general3A_337 = arith.constant dense<0.000000e+00> : vector<64x2048xf32>
    %dot_general3A_338 = tpu.matmul %convert_element_type3A_336, %convert_element_type3A_319, %dot_general3A_337 {dimension_numbers = #tpu.dot_dimension_numbers<[1], [0], [0], [1], [0, 0, 1, 1], [], []>, transpose_lhs_hint = false} : vector<64x128xbf16>, vector<128x2048xbf16>, vector<64x2048xf32> -> vector<64x2048xf32>
    %get3A_339 = arith.constant 7 : index
    %get3A_340 = arith.constant 0 : index
    %get3A_341 = arith.constant 0 : index
    %get3A_342 = vector.load %arg6[%get3A_339, %get3A_340, %get3A_341] : memref<8x64x512xf32, #tpu.memory_space<vmem>>, vector<1x64x512xf32>
    %get3A_343 = vector.shape_cast %get3A_342 : vector<1x64x512xf32> to vector<64x512xf32>
    %convert_element_type3A_344 = arith.truncf %get3A_343 : vector<64x512xf32> to vector<64x512xbf16>
    %dot_general3A_345 = arith.constant dense<0.000000e+00> : vector<64x2048xf32>
    %dot_general3A_346 = tpu.matmul %convert_element_type3A_344, %convert_element_type3A_330, %dot_general3A_345 {dimension_numbers = #tpu.dot_dimension_numbers<[1], [0], [0], [1], [0, 0, 1, 1], [], []>, transpose_lhs_hint = false} : vector<64x512xbf16>, vector<512x2048xbf16>, vector<64x2048xf32> -> vector<64x2048xf32>
    %slice3A_347 = vector.extract_strided_slice %slice3A_9 {offsets = [448, 0], sizes = [64, 1], strides = [1, 1]} : vector<512x1xf32> to vector<64x1xf32>
    %mul3A_348 = vector.broadcast %slice3A_347 : vector<64x1xf32> to vector<64x2048xf32>
    %mul3A_349 = arith.mulf %mul3A_348, %dot_general3A_338 : vector<64x2048xf32>
    %add3A_350 = arith.addf %mul3A_349, %dot_general3A_346 : vector<64x2048xf32>
    %concatenate3A = tpu.concatenate %add3A_56, %add3A_98, %add3A_140, %add3A_182, %add3A_224, %add3A_266, %add3A_308, %add3A_350 in 0 : vector<64x2048xf32>, vector<64x2048xf32>, vector<64x2048xf32>, vector<64x2048xf32>, vector<64x2048xf32>, vector<64x2048xf32>, vector<64x2048xf32>, vector<64x2048xf32> -> vector<512x2048xf32>
    %add3A_351 = arith.addf %mul3A_5, %concatenate3A : vector<512x2048xf32>
    %swap3A = arith.constant 0 : index
    %swap3A_352 = arith.constant 0 : index
    %swap3A_353 = vector.load %arg8[%swap3A, %swap3A_352] : memref<512x2048xf32, #tpu.memory_space<vmem>>, vector<512x2048xf32>
    tpu.vector_store %arg8[%swap3A, %swap3A_352], %add3A_351 {strides = array<i32>} : memref<512x2048xf32, #tpu.memory_space<vmem>>, vector<512x2048xf32>,
    return
  }
  func.func @transform_0(%arg0: i32) -> (i32, i32) {
    %c0_i32 = arith.constant 0 : i32
    %c0_i32_0 = arith.constant 0 : i32
    return %c0_i32, %arg0 : i32, i32
  }
  func.func @transform_1(%arg0: i32) -> (i32, i32) {
    %c0_i32 = arith.constant 0 : i32
    %c0_i32_0 = arith.constant 0 : i32
    %c0_i32_1 = arith.constant 0 : i32
    return %c0_i32, %c0_i32_0 : i32, i32
  }
  func.func @transform_2(%arg0: i32) -> (i32, i32) {
    %c0_i32 = arith.constant 0 : i32
    %c0_i32_0 = arith.constant 0 : i32
    %c0_i32_1 = arith.constant 0 : i32
    return %c0_i32, %c0_i32_0 : i32, i32
  }
  func.func @transform_3(%arg0: i32) -> (i32, i32, i32) {
    %c0_i32 = arith.constant 0 : i32
    %c0_i32_0 = arith.constant 0 : i32
    %c0_i32_1 = arith.constant 0 : i32
    %c0_i32_2 = arith.constant 0 : i32
    return %c0_i32, %c0_i32_0, %c0_i32_1 : i32, i32, i32
  }
  func.func @transform_4(%arg0: i32) -> (i32, i32, i32) {
    %c0_i32 = arith.constant 0 : i32
    %c0_i32_0 = arith.constant 0 : i32
    %c0_i32_1 = arith.constant 0 : i32
    %c0_i32_2 = arith.constant 0 : i32
    return %c0_i32, %c0_i32_0, %c0_i32_1 : i32, i32, i32
  }
  func.func @transform_5(%arg0: i32) -> (i32, i32, i32) {
    %c0_i32 = arith.constant 0 : i32
    %c0_i32_0 = arith.constant 0 : i32
    %c0_i32_1 = arith.constant 0 : i32
    %c0_i32_2 = arith.constant 0 : i32
    return %c0_i32, %c0_i32_0, %c0_i32_1 : i32, i32, i32
  }
  func.func @transform_6(%arg0: i32) -> (i32, i32, i32) {
    %c0_i32 = arith.constant 0 : i32
    %c0_i32_0 = arith.constant 0 : i32
    %c0_i32_1 = arith.constant 0 : i32
    %c0_i32_2 = arith.constant 0 : i32
    return %c0_i32, %c0_i32_0, %c0_i32_1 : i32, i32, i32
  }
  func.func @transform_7(%arg0: i32) -> (i32, i32) {
    %c0_i32 = arith.constant 0 : i32
    %c0_i32_0 = arith.constant 0 : i32
    return %c0_i32, %arg0 : i32, i32
  }
}

</mosaic_0001>

<sc_bundles>
// kernel: kernel.8.cloned.1.call-start
scs
__scs_entry_jumppad:
0x0: {  	(pc) =	sbr.rel $0x88, $3  }
0x1: {  	(tag) =	ssettag $0x0;
	lr =	simm.s32 $0x1  }
0x2: {  	[smem:$0x3F8E] =	sst lr;
	_ =	strace $0xD0000000  }
0x3: {  	_ = 	snop  }
0x4: {  	_ = 	snop  }
0x5: {  	_ = 	snop  }
0x6: {  	_ = 	snop  }
0x7: {  	_ = 	snop  }
__scs_overlays_trampoline_lowered:
0x8: {  	[smem:$0x3F9D] =	sst s0  }
0x9: {  	[smem:$0x3F9E] =	sst s1  }
0xa: {  	[smem:$0x3F9F] =	sst s2  }
0xb: {  	[smem:$0x3FA0] =	sst s3  }
0xc: {  	[smem:$0x3FA1] =	sst s4  }
0xd: {  	[smem:$0x3FA2] =	sst s5  }
0xe: {  	[smem:$0x3FA3] =	sst s6  }
0xf: {  	[smem:$0x3FA4] =	sst s7  }
0x10: {  	[smem:$0x3FA5] =	sst s8  }
0x11: {  	[smem:$0x3FA6] =	sst s9;
	s0 =	simm.s32 @!p0 $0x0  }
0x12: {  	s1 =	sld [smem:$0x3F8C];
	s0 =	simm.s32 @p0 $0x1  }
0x13: {  	[smem:$0x3FA7] =	sst s0;
	s0 =	simm.s32 @!p1 $0x0  }
0x14: {  	s2 =	sld [smem:$0x3F8B];
	s0 =	simm.s32 @p1 $0x1  }
0x15: {  	[smem:$0x3FA8] =	sst s0;
	s0 =	simm.s32 @!p2 $0x0  }
0x16: {  	s3 =	sld [smem:$0x3FDB];
	s0 =	simm.s32 @p2 $0x1  }
0x17: {  	s4 =	simm.s32 $0x1BF5;
	[smem:$0x3FAA] =	sst s0  }
0x18: {  	s0 =	sld [smem:$0x3F8D];
	_ =	swait.ge [sflag:s4], $0x0  }
0x19: {  	s7 =	sld [smem:$0x3F8E]  }
0x1a: {  	s8 =	sadd.s32 $0xFFFFE003, lr  }
0x1b: {  	s9 =	sadd.s32 $0xFFFFFEF7, lr;
	s5 =	simm.s32 $0xFFFFFFFF;
	p2 =	slt.u32 s8, $0xFFFFF086  }
0x1c: {  	p1 =	slt.u32 s9, $0xF7A;
	s5 =	simm.s32 @!p2 $0x0  }
0x1d: {  	s5 =	simm.s32 @p1 $0x1;
	p0 =	seq.s32 s7, s2  }
0x1e: {  	s7 =	smul.u32 @!p0 $0xF7A, s2;
	p2 =	seq.s32 @!p0 s5, $0x0  }
0x1f: {  	s9 =	smul.u32 $0xF7A, s1;
	s8 =	simm.s32 @!p0 $0x1BF5;
	p2 =	por !p2, p0  }
0x20: {  	[sflag:s8] =	ssyncset.s32 @!p0 $0xFFFFF086;
	s6 =	sadd.s32 @!p0 s3, s7;
	s7 =	simm.s32 @!p0 $0x108  }
0x21: {  	s3 =	sadd.s32 s3, s9;
	s6 =	sadd.s32 @!p0 $0x88, s6;
	s7 =	simm.s32 @p2 $0x1082  }
0x22: {  	[simem:s7], [sflag:s8] =	dma.local @!p0 [hbm:s6], $0xF7A  }
0x23: {  	s9 =	sor.u32 $0xD0000000, s2;
	s6 =	simm.s32 $0x108;
	_ =	swait.ge @!p0 [sflag:s8], $0x0  }
0x24: {  	s3 =	sadd.s32 $0x88, s3;
	s6 =	simm.s32 @!p1 $0x1082;
	[sflag:s4] =	ssyncset.s32 $0xFFFFF086  }
0x25: {  	[simem:s6], [sflag:s4] =	dma.local [hbm:s3], $0xF7A  }
0x26: {  	[smem:$0x3F8E] =	sst s1;
	(tag) =	ssettag s2;
	_ =	strace s9  }
0x27: {  	s1 =	sld [smem:$0x3F9E]  }
0x28: {  	s2 =	sld [smem:$0x3F9F]  }
0x29: {  	s4 =	sld [smem:$0x3FA1]  }
0x2a: {  	p0 =	seq.s32 s5, $0x0;
	s5 =	sld [smem:$0x3FA2]  }
0x2b: {  	s6 =	sld [smem:$0x3FA3]  }
0x2c: {  	s7 =	sld [smem:$0x3FA4]  }
0x2d: {  	s3 =	simm.s32 $0x108;
	s8 =	sld [smem:$0x3FA5]  }
0x2e: {  	s3 =	simm.s32 @!p0 $0x1082;
	s9 =	sld [smem:$0x3FA6]  }
0x2f: {  	lr =	sadd.s32 s0, s3;
	s0 =	sld [smem:$0x3F9D]  }
0x30: {  	s3 =	sld [smem:$0x3FA0]  }
0x31: {  	[smem:$0x3FA9] =	sst s10  }
0x32: {  	s10 =	sld [smem:$0x3FA7];
	_ =	sdelay $0x3  }
0x33: {  	p0 =	seq.s32 s10, $0x1;
	s10 =	sld [smem:$0x3FA9];
	_ =	sdelay $0x3  }
0x34: {  	[smem:$0x3FA9] =	sst s10  }
0x35: {  	s10 =	sld [smem:$0x3FA8];
	_ =	sdelay $0x3  }
0x36: {  	p1 =	seq.s32 s10, $0x1;
	s10 =	sld [smem:$0x3FA9];
	_ =	sdelay $0x3  }
0x37: {  	[smem:$0x3FA9] =	sst s10  }
0x38: {  	s10 =	sld [smem:$0x3FAA]  }
0x39: {  	_ = 	snop;
	(pc) =	sbr.ind lr, $3  }
0x3a: {  	_ = 	snop  }
0x3b: {  	_ = 	snop  }
0x3c: {  	p2 =	seq.s32 s10, $0x1;
	s10 =	sld [smem:$0x3FA9]  }
0x3d: {  	_ =	shalt  }
0x3e: {  	_ =	shalt  }
0x3f: {  	_ =	shalt  }
0x40: {  	_ =	shalt  }
0x41: {  	_ =	shalt  }
0x42: {  	_ =	shalt  }
0x43: {  	_ =	shalt  }
0x44: {  	_ =	shalt  }
0x45: {  	_ =	shalt  }
0x46: {  	_ =	shalt  }
0x47: {  	_ =	shalt  }
0x48: {  	_ =	shalt  }
0x49: {  	_ =	shalt  }
0x4a: {  	_ =	shalt  }
0x4b: {  	_ =	shalt  }
0x4c: {  	_ =	shalt  }
0x4d: {  	_ =	shalt  }
0x4e: {  	_ =	shalt  }
0x4f: {  	_ =	shalt  }
0x50: {  	_ =	shalt  }
0x51: {  	_ =	shalt  }
0x52: {  	_ =	shalt  }
0x53: {  	_ =	shalt  }
0x54: {  	_ =	shalt  }
0x55: {  	_ =	shalt  }
0x56: {  	_ =	shalt  }
0x57: {  	_ =	shalt  }
0x58: {  	_ =	shalt  }
0x59: {  	_ =	shalt  }
0x5a: {  	_ =	shalt  }
0x5b: {  	_ =	shalt  }
0x5c: {  	_ =	shalt  }
0x5d: {  	_ =	shalt  }
0x5e: {  	_ =	shalt  }
0x5f: {  	_ =	shalt  }
0x60: {  	_ =	shalt  }
0x61: {  	_ =	shalt  }
0x62: {  	_ =	shalt  }
0x63: {  	_ =	shalt  }
0x64: {  	_ =	shalt  }
0x65: {  	_ =	shalt  }
0x66: {  	_ =	shalt  }
0x67: {  	_ =	shalt  }
0x68: {  	_ =	shalt  }
0x69: {  	_ =	shalt  }
0x6a: {  	_ =	shalt  }
0x6b: {  	_ =	shalt  }
0x6c: {  	_ =	shalt  }
0x6d: {  	_ =	shalt  }
0x6e: {  	_ =	shalt  }
0x6f: {  	_ =	shalt  }
0x70: {  	_ =	shalt  }
0x71: {  	_ =	shalt  }
0x72: {  	_ =	shalt  }
0x73: {  	_ =	shalt  }
0x74: {  	_ =	shalt  }
0x75: {  	_ =	shalt  }
0x76: {  	_ =	shalt  }
0x77: {  	_ =	shalt  }
0x78: {  	_ =	shalt  }
0x79: {  	_ =	shalt  }
0x7a: {  	_ =	shalt  }
0x7b: {  	_ =	shalt  }
0x7c: {  	_ =	shalt  }
0x7d: {  	_ =	shalt  }
0x7e: {  	_ =	shalt  }
0x7f: {  	_ =	shalt  }
0x80: {  	_ =	shalt  }
0x81: {  	_ =	shalt  }
0x82: {  	_ =	shalt  }
0x83: {  	_ =	shalt  }
0x84: {  	_ =	shalt  }
0x85: {  	_ =	shalt  }
0x86: {  	_ =	shalt  }
0x87: {  	_ =	shalt  }
.Lfunc_end0:
.L_simem_size_0:
called_computation_lowered:
.L_overlay_start_0:
0x88: {  	s2 =	sld [smem:$0x3FD9]  }
0x89: {  	s3 =	sld [smem:$0x3FFE];
	_ =	sdelay $0x1  }
0x8a: {  	s1 =	srdreg.scid  }
0x8b: {  	s0 =	sand.u32 $0x1, s1  }
0x8c: {  	s17 =	sshll.u32 s0, $0xA;
	s2 =	sadd.s32 s3, s2  }
0x8d: {  	s2 =	sadd.s32 s2, s17  }
0x8e: {  	[smem:$0x3FB5] =	sst s2  }
0x8f: {  	_ = 	snop  }
0x90: {  	s2 =	sld [smem:$0x3FD0];
	(tm) =	ssettm $0x1  }
0x91: {  	s18 =	sld [smem:$0x3FFB];
	_ =	sdelay $0x3  }
0x92: {  	_ =	strace s18  }
0x93: {  	s3 =	sld [smem:$0x3FFC];
	_ =	sdelay $0x3  }
0x94: {  	_ =	strace s3  }
0x95: {  	s3 =	sld [smem:$0x3FFD];
	_ =	sdelay $0x3  }
0x96: {  	_ =	strace s3  }
0x97: {  	_ =	strace $0x8FFFFFFF  }
0x98: {  	s19 =	sld [smem:$0x3FDB];
	_ =	sdelay $0x1  }
0x99: {  	s4 =	simm.s32 $_scs_section_size  }
0x9a: {  	s5 =	simm.s32 $_size__tile_overlayer_lowered;
	s6 =	simm.s32 $_tile_overlayer_lowered  }
0x9b: {  	s22 =	simm.s32 $0x1BFF;
	s21 =	sshll.u32 s6, $0x1;
	s3 =	sadd.s32 s4, s19  }
0x9c: {  	s7 =	simm.s32 $0x0;
	s20 =	sshll.u32 s5, $0x1;
	s5 =	sadd.s32 s21, s3  }
0x9d: {  	[timem:s7], [sflag:s22] =	dma.local [hbm:s5], s20  }
0x9e: {  	_ =	swait.ge [sflag:s22], s20  }
0x9f: {  	s4 =	ssub.s32 $0x0, s20;
	[sflag:s22] =	ssyncset.done $0x0  }
0xa0: {  	[sflag:s22] =	ssyncadd.s32 s4;
	_ =	sdelay $0x1  }
0xa1: {  	s23 =	simm.s32 $0x1B8B  }
0xa2: {  	_ =	swait.ge [sflag:s23], $0x1  }
0xa3: {  	[sflag:s23] =	ssyncset.done $0x0  }
0xa4: {  	s25 =	simm.s32 $0x1B8E;
	s24 =	sld [smem:$0x3FFE];
	[sflag:s23] =	ssyncadd.s32 $0xFFFFFFFF  }
0xa5: {  	s26 =	simm.s32 $execute0_lowered;
	[smem:$0x3FD2] =	sst s25  }
0xa6: {  	s5 =	sshll.u32 s26, $0x1;
	_ =	strace $0x80000046;
	[dreg:$0x1] =	wrdreg $0xFFFFFFFF  }
0xa7: {  	s28 =	simm.s32 $_size_execute0_lowered;
	s3 =	sadd.s32 s3, s5;
	[dreg:$0x0] =	wrdreg $0x0  }
0xa8: {  	s5 =	sshll.u32 s28, $0x1;
	[dreg:$0x2] =	wrdreg s3  }
0xa9: {  	[dreg:$0x3] =	wrdreg s5  }
0xaa: {  	[dreg:$0x4] =	wrdreg $0xC0  }
0xab: {  	_ =	task [dreg:s7], $0x5FFFF  }
0xac: {  	[dreg:$0x1] =	wrdreg $0xFFFFFFFF  }
0xad: {  	[dreg:$0x0] =	wrdreg $0x60  }
0xae: {  	[dreg:$0x2] =	wrdreg s24  }
0xaf: {  	[dreg:$0x3] =	wrdreg s2  }
0xb0: {  	[dreg:$0x4] =	wrdreg $0x9  }
0xb1: {  	_ =	task.clear_ibuf [dreg:s7], $0x5FFFF;
	_ =	strace $0x90000046  }
0xb2: {  	s29 =	simm.s32 $0x9;
	_ =	strace $0x80000048  }
0xb3: {  	_ =	swait.ge [sflag:s29], $0x1  }
0xb4: {  	[sflag:s29] =	ssyncadd.s32 $0xFFFFFFFF  }
0xb5: {  	_ =	strace $0x90000048  }
0xb6: {  	_ =	sfence  }
0xb7: {  	s30 =	sld [smem:$0x0];
	_ =	sdelay $0x2  }
0xb8: {  	s31 =	sshll.u32 s1, $0xD;
	s1 =	sshrl.u32 s1, $0x2  }
0xb9: {  	s3 =	sand.u32 $0x4000, s31;
	s1 =	sadd.s32 s1, s30  }
0xba: {  	s0 =	sor.u32 s3, s0;
	s1 =	sshll.u32 s1, $0x11  }
0xbb: {  	s0 =	sor.u32 s1, s0  }
0xbc: {  	s0 =	sadd.s32 $0x8F2B, s0  }
0xbd: {  	[sflag:s0] =	ssyncadd.remote.s32 $0x1  }
0xbe: {  	_ =	sfence.sel $0xFFFF  }
0xbf: {  	[dreg:$0x0] =	wrdreg $0xFFFFFFFF;
	(pc) =	sbr.abs _section_cstart, $3  }
0xc0: {  	[dreg:$0x1] =	wrdreg $0xFFFFFFFF  }
0xc1: {  	_ =	task.clear_ibuf [dreg:s7], $0x2FFFF;
	_ =	strace $0x9FFFFFFF  }
0xc2: {  	(tm) =	ssettm $0x7FFFFFFF  }
0xc3: {  	_ =	shalt  }
tec
execute0_lowered:
.L_overlay_start_1:
0x0: {  	(tag) =	ssettag $0x1  }
0x1: {  	s0 =	rddreg [dreg:$0x0]  }
0x2: {  	s1 =	rddreg [dreg:$0x1]  }
0x3: {  	s2 =	simm.s32 $0x0;
	s3 =	srdreg.scid;
	s4 =	stileid.u32  }
0x4: {  	s26 =	simm.s32 $0x100;
	s18 =	simm.s32 $0x1;
	s21 =	simm.s32 $0xD80  }
0x5: {  	s28 =	simm.s32 $0x3180;
	s29 =	simm.s32 $0x3980;
	s30 =	simm.s32 $0x3D80  }
0x6: {  	s31 =	simm.s32 $0x4580;
	s12 =	simm.s32 $0x6180;
	s13 =	simm.s32 $0x6980  }
0x7: {  	s14 =	simm.s32 $0x6D80;
	s15 =	simm.s32 $0x7580;
	s16 =	simm.s32 $0x7980  }
0x8: {  	s17 =	simm.s32 $0x8180;
	[smem:$0x7FF] =	sst s2;
	s5 =	sand.u32 $0x1, s3  }
0x9: {  	s4 =	sshll.u32 s4, $0x1;
	s3 =	sadd.s32 $0x2600, s0;
	_ =	strace $0x80000047  }
0xa: {  	s6 =	sor.u32 s5, s4;
	s4 =	sadd.s32 $0x24C600, s0;
	s5 =	ssub.s32 $0x2, s5  }
0xb: {  	[dreg:$0x8] =	wrdreg s26;
	s26 =	simm.s32 $0x2D80;
	s9 =	smul.u32 $0x1800, s6  }
0xc: {  	s7 =	sshll.u32 s6, $0x5;
	s8 =	sshll.u32 s6, $0x4;
	s10 =	smul.u32 $0x18000, s6  }
0xd: {  	s11 =	sshrl.u32 s5, $0x1;
	s6 =	smul.u32 $0x3000, s6;
	s7 =	sadd.s32 s7, s0  }
0xe: {  	s8 =	sadd.s32 s8, s0;
	s24 =	ssub.s32 s5, s11;
	s5 =	sadd.s32 $0x2700, s0  }
0xf: {  	s11 =	simm.s32 $0x5D80;
	s9 =	sadd.s32 s9, s0;
	s7 =	sadd.s32 $0x258200, s7  }
0x10: {  	s22 =	sadd.s32 $0x2400, s8;
	s23 =	sshrl.u32 s10, $0x3;
	[dreg:$0x3] =	wrdreg s7  }
0x11: {  	s6 =	sadd.s32 s1, s6;
	s8 =	simm.s32 $0x2;
	[dreg:$0x4] =	wrdreg s22  }
0x12: {  	s10 =	simm.s32 $0x5580;
	s1 =	sadd.s32 s1, s23;
	[dreg:$0x5] =	wrdreg s6  }
0x13: {  	s25 =	sadd.s32 $0x258600, s9;
	s6 =	sadd.s32 $0x24C700, s0;
	s7 =	smax.u32 s24, $0x1  }
0x14: {  	v2 =	vlaneseq.u32;
	s0 =	simm.s32 $0x180;
	s22 =	simm.s32 $0x1580;
	s23 =	simm.s32 $0x1980  }
0x15: {  	vm0 =	vmmov $0xffff;
	vm1 =	vmmov $0xff;
	v1 =	vshrl.u32 v2, $0x3;
	s24 =	simm.s32 $0x2180;
	s1 =	sadd.s32 $0x1800, s1;
	[dreg:$0x7] =	wrdreg s25  }
0x16: {  	v0 =	vand.u32 $0x7, v2;
	v2 =	vor.u32 $0x8, v2;
	v1 =	vmul.u32 $0x8, v1;
	s9 =	simm.s32 $0x8580;
	s25 =	simm.s32 $0x2580;
	[dreg:$0x6] =	wrdreg s1  }
.LBB2_1:
0x17: {  	s19 =	rddreg [dreg:$0x3]  }
0x18: {  	[tilespmem:s2], [sflag:$0x2] =	stream.linear.gather [hbm4b:s19+s2], $0x100, $0x38;
	[tilespmem:$0xC180] =	vst v63  }
0x19: {  	_ =	swait.ge [sflag:s8], $0x100  }
0x1a: {  	s1 =	rddreg [dreg:$0x4];
	[sflag:s8] =	ssyncset.done $0x0  }
0x1b: {  	s20 =	rddreg [dreg:$0x8];
	[sflag:s8] =	ssyncadd.s32 $0xFFFFFF00  }
0x1c: {  	[tilespmem:s20], [sflag:$0x2] =	stream.linear.gather [hbm4b:s1+s2], $0x80, $0x38;
	[tilespmem:$0xC180] =	vst v63  }
0x1d: {  	_ =	swait.ge [sflag:s8], $0x80  }
0x1e: {  	[sflag:s8] =	ssyncset.done $0x0  }
0x1f: {  	[sflag:s8] =	ssyncadd.s32 $0xFFFFFF80  }
0x20: {  	v3 =	vld [tilespmem:$0x0];
	_ =	sdelay $0x4  }
0x21: {  	v4 =	vshrl.u32 v3, $0x3  }
0x22: {  	v4 =	vmul.u32 $0x18, v4  }
0x23: {  	v3 =	vand.u32 $0x7, v3  }
0x24: {  	v3 =	vor.u32 v3, v4  }
0x25: {  	v4 =	vperm.xlane v3, v0;
	_ =	sdelay $0x1  }
0x26: {  	v4 =	vadd.s32 v1, v4;
	_ =	sdelay $0x1  }
0x27: {  	v3 =	vperm.xlane v3, v2;
	_ =	sdelay $0x1  }
0x28: {  	v3 =	vadd.s32 v1, v3  }
0x29: {  	[tilespmem:s0], [sflag:$0x1] =	stream.indirect_vreg.gather [hbm4b:s3+s2], $0x80, v4, vm0, $0xb8;
	[tilespmem:$0xC180] =	vst v63  }
0x2a: {  	s20 =	simm.s32 $0x980  }
0x2b: {  	[tilespmem:s20], [sflag:$0x1] =	stream.indirect_vreg.gather [hbm4b:s5+s2], $0x80, v4, vm1, $0xb8;
	[tilespmem:$0xC180] =	vst v63  }
0x2c: {  	_ = 	snop  }
0x2d: {  	[tilespmem:s21], [sflag:$0x1] =	stream.indirect_vreg.gather [hbm4b:s3+s2], $0x80, v3, vm0, $0xb8;
	[tilespmem:$0xC180] =	vst v63  }
0x2e: {  	_ = 	snop  }
0x2f: {  	[tilespmem:s22], [sflag:$0x1] =	stream.indirect_vreg.gather [hbm4b:s5+s2], $0x80, v3, vm1, $0xb8;
	[tilespmem:$0xC180] =	vst v63  }
0x30: {  	v3 =	vld [tilespmem:$0x10];
	_ =	sdelay $0x4  }
0x31: {  	v41 =	vshrl.u32 v3, $0x3  }
0x32: {  	v4 =	vmul.u32 $0x18, v41  }
0x33: {  	v3 =	vand.u32 $0x7, v3  }
0x34: {  	v3 =	vor.u32 v3, v4  }
0x35: {  	v4 =	vperm.xlane v3, v0;
	_ =	sdelay $0x1  }
0x36: {  	v4 =	vadd.s32 v1, v4;
	_ =	sdelay $0x1  }
0x37: {  	v3 =	vperm.xlane v3, v2;
	_ =	sdelay $0x1  }
0x38: {  	v3 =	vadd.s32 v1, v3  }
0x39: {  	[tilespmem:s23], [sflag:$0x1] =	stream.indirect_vreg.gather [hbm4b:s3+s2], $0x80, v4, vm0, $0xb8;
	[tilespmem:$0xC180] =	vst v63  }
0x3a: {  	_ = 	snop  }
0x3b: {  	[tilespmem:s24], [sflag:$0x1] =	stream.indirect_vreg.gather [hbm4b:s5+s2], $0x80, v4, vm1, $0xb8;
	[tilespmem:$0xC180] =	vst v63  }
0x3c: {  	_ = 	snop  }
0x3d: {  	[tilespmem:s25], [sflag:$0x1] =	stream.indirect_vreg.gather [hbm4b:s3+s2], $0x80, v3, vm0, $0xb8;
	[tilespmem:$0xC180] =	vst v63  }
0x3e: {  	_ = 	snop  }
0x3f: {  	[tilespmem:s26], [sflag:$0x1] =	stream.indirect_vreg.gather [hbm4b:s5+s2], $0x80, v3, vm1, $0xb8;
	[tilespmem:$0xC180] =	vst v63  }
0x40: {  	v3 =	vld [tilespmem:$0x20];
	_ =	sdelay $0x4  }
0x41: {  	v42 =	vshrl.u32 v3, $0x3  }
0x42: {  	v4 =	vmul.u32 $0x18, v42  }
0x43: {  	v3 =	vand.u32 $0x7, v3  }
0x44: {  	v3 =	vor.u32 v3, v4  }
0x45: {  	v4 =	vperm.xlane v3, v0;
	_ =	sdelay $0x1  }
0x46: {  	v4 =	vadd.s32 v1, v4;
	_ =	sdelay $0x1  }
0x47: {  	v3 =	vperm.xlane v3, v2;
	_ =	sdelay $0x1  }
0x48: {  	v3 =	vadd.s32 v1, v3  }
0x49: {  	[tilespmem:s28], [sflag:$0x1] =	stream.indirect_vreg.gather [hbm4b:s3+s2], $0x80, v4, vm0, $0xb8;
	[tilespmem:$0xC180] =	vst v63  }
0x4a: {  	_ = 	snop  }
0x4b: {  	[tilespmem:s29], [sflag:$0x1] =	stream.indirect_vreg.gather [hbm4b:s5+s2], $0x80, v4, vm1, $0xb8;
	[tilespmem:$0xC180] =	vst v63  }
0x4c: {  	_ = 	snop  }
0x4d: {  	[tilespmem:s30], [sflag:$0x1] =	stream.indirect_vreg.gather [hbm4b:s3+s2], $0x80, v3, vm0, $0xb8;
	[tilespmem:$0xC180] =	vst v63  }
0x4e: {  	_ = 	snop  }
0x4f: {  	[tilespmem:s31], [sflag:$0x1] =	stream.indirect_vreg.gather [hbm4b:s5+s2], $0x80, v3, vm1, $0xb8;
	[tilespmem:$0xC180] =	vst v63  }
0x50: {  	v3 =	vld [tilespmem:$0x30];
	_ =	sdelay $0x4  }
0x51: {  	v43 =	vshrl.u32 v3, $0x3  }
0x52: {  	v4 =	vmul.u32 $0x18, v43  }
0x53: {  	v3 =	vand.u32 $0x7, v3  }
0x54: {  	v3 =	vor.u32 v3, v4  }
0x55: {  	v4 =	vperm.xlane v3, v0;
	_ =	sdelay $0x1  }
0x56: {  	v4 =	vadd.s32 v1, v4;
	_ =	sdelay $0x1  }
0x57: {  	v3 =	vperm.xlane v3, v2;
	_ =	sdelay $0x1  }
0x58: {  	s1 =	simm.s32 $0x4980;
	v3 =	vadd.s32 v1, v3  }
0x59: {  	[tilespmem:s1], [sflag:$0x1] =	stream.indirect_vreg.gather [hbm4b:s3+s2], $0x80, v4, vm0, $0xb8;
	[tilespmem:$0xC180] =	vst v63  }
0x5a: {  	s1 =	simm.s32 $0x5180  }
0x5b: {  	[tilespmem:s1], [sflag:$0x1] =	stream.indirect_vreg.gather [hbm4b:s5+s2], $0x80, v4, vm1, $0xb8;
	[tilespmem:$0xC180] =	vst v63  }
0x5c: {  	_ = 	snop  }
0x5d: {  	[tilespmem:s10], [sflag:$0x1] =	stream.indirect_vreg.gather [hbm4b:s3+s2], $0x80, v3, vm0, $0xb8;
	[tilespmem:$0xC180] =	vst v63  }
0x5e: {  	_ = 	snop  }
0x5f: {  	[tilespmem:s11], [sflag:$0x1] =	stream.indirect_vreg.gather [hbm4b:s5+s2], $0x80, v3, vm1, $0xb8;
	[tilespmem:$0xC180] =	vst v63  }
0x60: {  	v3 =	vld [tilespmem:$0x40];
	_ =	sdelay $0x4  }
0x61: {  	v44 =	vshrl.u32 v3, $0x3  }
0x62: {  	v4 =	vmul.u32 $0x18, v44  }
0x63: {  	v3 =	vand.u32 $0x7, v3  }
0x64: {  	v3 =	vor.u32 v3, v4  }
0x65: {  	v4 =	vperm.xlane v3, v0;
	_ =	sdelay $0x1  }
0x66: {  	v4 =	vadd.s32 v1, v4;
	_ =	sdelay $0x1  }
0x67: {  	v3 =	vperm.xlane v3, v2;
	_ =	sdelay $0x1  }
0x68: {  	v3 =	vadd.s32 v1, v3  }
0x69: {  	[tilespmem:s12], [sflag:$0x1] =	stream.indirect_vreg.gather [hbm4b:s3+s2], $0x80, v4, vm0, $0xb8;
	[tilespmem:$0xC180] =	vst v63  }
0x6a: {  	_ = 	snop  }
0x6b: {  	[tilespmem:s13], [sflag:$0x1] =	stream.indirect_vreg.gather [hbm4b:s5+s2], $0x80, v4, vm1, $0xb8;
	[tilespmem:$0xC180] =	vst v63  }
0x6c: {  	_ = 	snop  }
0x6d: {  	[tilespmem:s14], [sflag:$0x1] =	stream.indirect_vreg.gather [hbm4b:s3+s2], $0x80, v3, vm0, $0xb8;
	[tilespmem:$0xC180] =	vst v63  }
0x6e: {  	_ = 	snop  }
0x6f: {  	[tilespmem:s15], [sflag:$0x1] =	stream.indirect_vreg.gather [hbm4b:s5+s2], $0x80, v3, vm1, $0xb8;
	[tilespmem:$0xC180] =	vst v63  }
0x70: {  	v3 =	vld [tilespmem:$0x50];
	_ =	sdelay $0x4  }
0x71: {  	v45 =	vshrl.u32 v3, $0x3  }
0x72: {  	v4 =	vmul.u32 $0x18, v45  }
0x73: {  	v3 =	vand.u32 $0x7, v3  }
0x74: {  	v3 =	vor.u32 v3, v4  }
0x75: {  	v4 =	vperm.xlane v3, v0;
	_ =	sdelay $0x1  }
0x76: {  	v4 =	vadd.s32 v1, v4;
	_ =	sdelay $0x1  }
0x77: {  	v3 =	vperm.xlane v3, v2;
	_ =	sdelay $0x1  }
0x78: {  	v3 =	vadd.s32 v1, v3  }
0x79: {  	[tilespmem:s16], [sflag:$0x1] =	stream.indirect_vreg.gather [hbm4b:s3+s2], $0x80, v4, vm0, $0xb8;
	[tilespmem:$0xC180] =	vst v63  }
0x7a: {  	_ = 	snop  }
0x7b: {  	[tilespmem:s17], [sflag:$0x1] =	stream.indirect_vreg.gather [hbm4b:s5+s2], $0x80, v4, vm1, $0xb8;
	[tilespmem:$0xC180] =	vst v63  }
0x7c: {  	_ = 	snop  }
0x7d: {  	[tilespmem:s9], [sflag:$0x1] =	stream.indirect_vreg.gather [hbm4b:s3+s2], $0x80, v3, vm0, $0xb8;
	[tilespmem:$0xC180] =	vst v63  }
0x7e: {  	s19 =	simm.s32 $0x8D80  }
0x7f: {  	[tilespmem:s19], [sflag:$0x1] =	stream.indirect_vreg.gather [hbm4b:s5+s2], $0x80, v3, vm1, $0xb8;
	[tilespmem:$0xC180] =	vst v63  }
0x80: {  	v3 =	vld [tilespmem:$0x60];
	_ =	sdelay $0x4  }
0x81: {  	v46 =	vshrl.u32 v3, $0x3  }
0x82: {  	v4 =	vmul.u32 $0x18, v46  }
0x83: {  	v3 =	vand.u32 $0x7, v3  }
0x84: {  	v3 =	vor.u32 v3, v4  }
0x85: {  	v4 =	vperm.xlane v3, v0;
	_ =	sdelay $0x1  }
0x86: {  	v4 =	vadd.s32 v1, v4;
	_ =	sdelay $0x1  }
0x87: {  	v3 =	vperm.xlane v3, v2;
	_ =	sdelay $0x1  }
0x88: {  	s19 =	simm.s32 $0x9180;
	v3 =	vadd.s32 v1, v3  }
0x89: {  	[tilespmem:s19], [sflag:$0x1] =	stream.indirect_vreg.gather [hbm4b:s3+s2], $0x80, v4, vm0, $0xb8;
	[tilespmem:$0xC180] =	vst v63  }
0x8a: {  	s19 =	simm.s32 $0x9980  }
0x8b: {  	[tilespmem:s19], [sflag:$0x1] =	stream.indirect_vreg.gather [hbm4b:s5+s2], $0x80, v4, vm1, $0xb8;
	[tilespmem:$0xC180] =	vst v63  }
0x8c: {  	s19 =	simm.s32 $0x9D80  }
0x8d: {  	[tilespmem:s19], [sflag:$0x1] =	stream.indirect_vreg.gather [hbm4b:s3+s2], $0x80, v3, vm0, $0xb8;
	[tilespmem:$0xC180] =	vst v63  }
0x8e: {  	s19 =	simm.s32 $0xA580  }
0x8f: {  	[tilespmem:s19], [sflag:$0x1] =	stream.indirect_vreg.gather [hbm4b:s5+s2], $0x80, v3, vm1, $0xb8;
	[tilespmem:$0xC180] =	vst v63  }
0x90: {  	v3 =	vld [tilespmem:$0x70];
	_ =	sdelay $0x4  }
0x91: {  	v47 =	vshrl.u32 v3, $0x3  }
0x92: {  	v4 =	vmul.u32 $0x18, v47  }
0x93: {  	v3 =	vand.u32 $0x7, v3  }
0x94: {  	v3 =	vor.u32 v3, v4  }
0x95: {  	v4 =	vperm.xlane v3, v0;
	_ =	sdelay $0x1  }
0x96: {  	v4 =	vadd.s32 v1, v4;
	_ =	sdelay $0x1  }
0x97: {  	v3 =	vperm.xlane v3, v2;
	_ =	sdelay $0x1  }
0x98: {  	s19 =	simm.s32 $0xA980;
	v3 =	vadd.s32 v1, v3  }
0x99: {  	[tilespmem:s19], [sflag:$0x1] =	stream.indirect_vreg.gather [hbm4b:s3+s2], $0x80, v4, vm0, $0xb8;
	[tilespmem:$0xC180] =	vst v63  }
0x9a: {  	s19 =	simm.s32 $0xB180  }
0x9b: {  	[tilespmem:s19], [sflag:$0x1] =	stream.indirect_vreg.gather [hbm4b:s5+s2], $0x80, v4, vm1, $0xb8;
	[tilespmem:$0xC180] =	vst v63  }
0x9c: {  	s19 =	simm.s32 $0xB580  }
0x9d: {  	[tilespmem:s19], [sflag:$0x1] =	stream.indirect_vreg.gather [hbm4b:s3+s2], $0x80, v3, vm0, $0xb8;
	[tilespmem:$0xC180] =	vst v63  }
0x9e: {  	s19 =	simm.s32 $0xBD80  }
0x9f: {  	[tilespmem:s19], [sflag:$0x1] =	stream.indirect_vreg.gather [hbm4b:s5+s2], $0x80, v3, vm1, $0xb8;
	[tilespmem:$0xC180] =	vst v63  }
0xa0: {  	_ =	swait.ge [sflag:s18], $0xC000  }
0xa1: {  	[sflag:s18] =	ssyncset.done $0x0  }
0xa2: {  	s19 =	rddreg [dreg:$0x5];
	[sflag:s18] =	ssyncadd.s32 $0xFFFF4000  }
0xa3: {  	[hbm4b:s19+s2] =	stream.linear.scatter [tilespmem:s0], [sflag:$0x2], $0xC000, $0x38;
	[tilespmem:$0xC180] =	vst v63  }
0xa4: {  	_ =	swait.ge [sflag:s8], $0xC000  }
0xa5: {  	[sflag:s8] =	ssyncset.done $0x0  }
0xa6: {  	[sflag:s8] =	ssyncadd.s32 $0xFFFF4000  }
0xa7: {  	v3 =	vld [tilespmem:$0x80];
	_ =	sdelay $0x4  }
0xa8: {  	v48 =	vshrl.u32 v3, $0x3  }
0xa9: {  	v4 =	vmul.u32 $0x18, v48  }
0xaa: {  	v3 =	vand.u32 $0x7, v3  }
0xab: {  	v3 =	vor.u32 v3, v4  }
0xac: {  	v4 =	vperm.xlane v3, v0;
	_ =	sdelay $0x1  }
0xad: {  	v4 =	vadd.s32 v1, v4;
	_ =	sdelay $0x1  }
0xae: {  	v3 =	vperm.xlane v3, v2;
	_ =	sdelay $0x1  }
0xaf: {  	v3 =	vadd.s32 v1, v3  }
0xb0: {  	[tilespmem:s0], [sflag:$0x1] =	stream.indirect_vreg.gather [hbm4b:s3+s2], $0x80, v4, vm0, $0xb8;
	[tilespmem:$0xC180] =	vst v63  }
0xb1: {  	_ = 	snop  }
0xb2: {  	[tilespmem:s20], [sflag:$0x1] =	stream.indirect_vreg.gather [hbm4b:s5+s2], $0x80, v4, vm1, $0xb8;
	[tilespmem:$0xC180] =	vst v63  }
0xb3: {  	_ = 	snop  }
0xb4: {  	[tilespmem:s21], [sflag:$0x1] =	stream.indirect_vreg.gather [hbm4b:s3+s2], $0x80, v3, vm0, $0xb8;
	[tilespmem:$0xC180] =	vst v63  }
0xb5: {  	_ = 	snop  }
0xb6: {  	[tilespmem:s22], [sflag:$0x1] =	stream.indirect_vreg.gather [hbm4b:s5+s2], $0x80, v3, vm1, $0xb8;
	[tilespmem:$0xC180] =	vst v63  }
0xb7: {  	v3 =	vld [tilespmem:$0x90];
	_ =	sdelay $0x4  }
0xb8: {  	v49 =	vshrl.u32 v3, $0x3  }
0xb9: {  	v4 =	vmul.u32 $0x18, v49  }
0xba: {  	v3 =	vand.u32 $0x7, v3  }
0xbb: {  	v3 =	vor.u32 v3, v4  }
0xbc: {  	v4 =	vperm.xlane v3, v0;
	_ =	sdelay $0x1  }
0xbd: {  	v4 =	vadd.s32 v1, v4;
	_ =	sdelay $0x1  }
0xbe: {  	v3 =	vperm.xlane v3, v2;
	_ =	sdelay $0x1  }
0xbf: {  	v3 =	vadd.s32 v1, v3  }
0xc0: {  	[tilespmem:s23], [sflag:$0x1] =	stream.indirect_vreg.gather [hbm4b:s3+s2], $0x80, v4, vm0, $0xb8;
	[tilespmem:$0xC180] =	vst v63  }
0xc1: {  	_ = 	snop  }
0xc2: {  	[tilespmem:s24], [sflag:$0x1] =	stream.indirect_vreg.gather [hbm4b:s5+s2], $0x80, v4, vm1, $0xb8;
	[tilespmem:$0xC180] =	vst v63  }
0xc3: {  	_ = 	snop  }
0xc4: {  	[tilespmem:s25], [sflag:$0x1] =	stream.indirect_vreg.gather [hbm4b:s3+s2], $0x80, v3, vm0, $0xb8;
	[tilespmem:$0xC180] =	vst v63  }
0xc5: {  	_ = 	snop  }
0xc6: {  	[tilespmem:s26], [sflag:$0x1] =	stream.indirect_vreg.gather [hbm4b:s5+s2], $0x80, v3, vm1, $0xb8;
	[tilespmem:$0xC180] =	vst v63  }
0xc7: {  	v3 =	vld [tilespmem:$0xA0];
	_ =	sdelay $0x4  }
0xc8: {  	v50 =	vshrl.u32 v3, $0x3  }
0xc9: {  	v4 =	vmul.u32 $0x18, v50  }
0xca: {  	v3 =	vand.u32 $0x7, v3  }
0xcb: {  	v3 =	vor.u32 v3, v4  }
0xcc: {  	v4 =	vperm.xlane v3, v0;
	_ =	sdelay $0x1  }
0xcd: {  	v4 =	vadd.s32 v1, v4;
	_ =	sdelay $0x1  }
0xce: {  	v3 =	vperm.xlane v3, v2;
	_ =	sdelay $0x1  }
0xcf: {  	v3 =	vadd.s32 v1, v3  }
0xd0: {  	[tilespmem:s28], [sflag:$0x1] =	stream.indirect_vreg.gather [hbm4b:s3+s2], $0x80, v4, vm0, $0xb8;
	[tilespmem:$0xC180] =	vst v63  }
0xd1: {  	_ = 	snop  }
0xd2: {  	[tilespmem:s29], [sflag:$0x1] =	stream.indirect_vreg.gather [hbm4b:s5+s2], $0x80, v4, vm1, $0xb8;
	[tilespmem:$0xC180] =	vst v63  }
0xd3: {  	_ = 	snop  }
0xd4: {  	[tilespmem:s30], [sflag:$0x1] =	stream.indirect_vreg.gather [hbm4b:s3+s2], $0x80, v3, vm0, $0xb8;
	[tilespmem:$0xC180] =	vst v63  }
0xd5: {  	_ = 	snop  }
0xd6: {  	[tilespmem:s31], [sflag:$0x1] =	stream.indirect_vreg.gather [hbm4b:s5+s2], $0x80, v3, vm1, $0xb8;
	[tilespmem:$0xC180] =	vst v63  }
0xd7: {  	v3 =	vld [tilespmem:$0xB0];
	_ =	sdelay $0x4  }
0xd8: {  	v51 =	vshrl.u32 v3, $0x3  }
0xd9: {  	v4 =	vmul.u32 $0x18, v51  }
0xda: {  	v3 =	vand.u32 $0x7, v3  }
0xdb: {  	v3 =	vor.u32 v3, v4  }
0xdc: {  	v4 =	vperm.xlane v3, v0;
	_ =	sdelay $0x1  }
0xdd: {  	v4 =	vadd.s32 v1, v4;
	_ =	sdelay $0x1  }
0xde: {  	v3 =	vperm.xlane v3, v2;
	_ =	sdelay $0x1  }
0xdf: {  	s19 =	simm.s32 $0x4980;
	v3 =	vadd.s32 v1, v3  }
0xe0: {  	[tilespmem:s19], [sflag:$0x1] =	stream.indirect_vreg.gather [hbm4b:s3+s2], $0x80, v4, vm0, $0xb8;
	[tilespmem:$0xC180] =	vst v63  }
0xe1: {  	_ = 	snop  }
0xe2: {  	[tilespmem:s1], [sflag:$0x1] =	stream.indirect_vreg.gather [hbm4b:s5+s2], $0x80, v4, vm1, $0xb8;
	[tilespmem:$0xC180] =	vst v63  }
0xe3: {  	_ = 	snop  }
0xe4: {  	[tilespmem:s10], [sflag:$0x1] =	stream.indirect_vreg.gather [hbm4b:s3+s2], $0x80, v3, vm0, $0xb8;
	[tilespmem:$0xC180] =	vst v63  }
0xe5: {  	_ = 	snop  }
0xe6: {  	[tilespmem:s11], [sflag:$0x1] =	stream.indirect_vreg.gather [hbm4b:s5+s2], $0x80, v3, vm1, $0xb8;
	[tilespmem:$0xC180] =	vst v63  }
0xe7: {  	v3 =	vld [tilespmem:$0xC0];
	_ =	sdelay $0x4  }
0xe8: {  	v52 =	vshrl.u32 v3, $0x3  }
0xe9: {  	v4 =	vmul.u32 $0x18, v52  }
0xea: {  	v3 =	vand.u32 $0x7, v3  }
0xeb: {  	v3 =	vor.u32 v3, v4  }
0xec: {  	v4 =	vperm.xlane v3, v0;
	_ =	sdelay $0x1  }
0xed: {  	v4 =	vadd.s32 v1, v4;
	_ =	sdelay $0x1  }
0xee: {  	v3 =	vperm.xlane v3, v2;
	_ =	sdelay $0x1  }
0xef: {  	v3 =	vadd.s32 v1, v3  }
0xf0: {  	[tilespmem:s12], [sflag:$0x1] =	stream.indirect_vreg.gather [hbm4b:s3+s2], $0x80, v4, vm0, $0xb8;
	[tilespmem:$0xC180] =	vst v63  }
0xf1: {  	_ = 	snop  }
0xf2: {  	[tilespmem:s13], [sflag:$0x1] =	stream.indirect_vreg.gather [hbm4b:s5+s2], $0x80, v4, vm1, $0xb8;
	[tilespmem:$0xC180] =	vst v63  }
0xf3: {  	_ = 	snop  }
0xf4: {  	[tilespmem:s14], [sflag:$0x1] =	stream.indirect_vreg.gather [hbm4b:s3+s2], $0x80, v3, vm0, $0xb8;
	[tilespmem:$0xC180] =	vst v63  }
0xf5: {  	_ = 	snop  }
0xf6: {  	[tilespmem:s15], [sflag:$0x1] =	stream.indirect_vreg.gather [hbm4b:s5+s2], $0x80, v3, vm1, $0xb8;
	[tilespmem:$0xC180] =	vst v63  }
0xf7: {  	v3 =	vld [tilespmem:$0xD0];
	_ =	sdelay $0x4  }
0xf8: {  	v53 =	vshrl.u32 v3, $0x3  }
0xf9: {  	v4 =	vmul.u32 $0x18, v53  }
0xfa: {  	v3 =	vand.u32 $0x7, v3  }
0xfb: {  	v3 =	vor.u32 v3, v4  }
0xfc: {  	v4 =	vperm.xlane v3, v0;
	_ =	sdelay $0x1  }
0xfd: {  	v4 =	vadd.s32 v1, v4;
	_ =	sdelay $0x1  }
0xfe: {  	v3 =	vperm.xlane v3, v2;
	_ =	sdelay $0x1  }
0xff: {  	v3 =	vadd.s32 v1, v3  }
0x100: {  	[tilespmem:s16], [sflag:$0x1] =	stream.indirect_vreg.gather [hbm4b:s3+s2], $0x80, v4, vm0, $0xb8;
	[tilespmem:$0xC180] =	vst v63  }
0x101: {  	_ = 	snop  }
0x102: {  	[tilespmem:s17], [sflag:$0x1] =	stream.indirect_vreg.gather [hbm4b:s5+s2], $0x80, v4, vm1, $0xb8;
	[tilespmem:$0xC180] =	vst v63  }
0x103: {  	_ = 	snop  }
0x104: {  	[tilespmem:s9], [sflag:$0x1] =	stream.indirect_vreg.gather [hbm4b:s3+s2], $0x80, v3, vm0, $0xb8;
	[tilespmem:$0xC180] =	vst v63  }
0x105: {  	s19 =	simm.s32 $0x8D80  }
0x106: {  	[tilespmem:s19], [sflag:$0x1] =	stream.indirect_vreg.gather [hbm4b:s5+s2], $0x80, v3, vm1, $0xb8;
	[tilespmem:$0xC180] =	vst v63  }
0x107: {  	v3 =	vld [tilespmem:$0xE0];
	_ =	sdelay $0x4  }
0x108: {  	v54 =	vshrl.u32 v3, $0x3  }
0x109: {  	v4 =	vmul.u32 $0x18, v54  }
0x10a: {  	v3 =	vand.u32 $0x7, v3  }
0x10b: {  	v3 =	vor.u32 v3, v4  }
0x10c: {  	v4 =	vperm.xlane v3, v0;
	_ =	sdelay $0x1  }
0x10d: {  	v4 =	vadd.s32 v1, v4;
	_ =	sdelay $0x1  }
0x10e: {  	v3 =	vperm.xlane v3, v2;
	_ =	sdelay $0x1  }
0x10f: {  	s19 =	simm.s32 $0x9180;
	v3 =	vadd.s32 v1, v3  }
0x110: {  	[tilespmem:s19], [sflag:$0x1] =	stream.indirect_vreg.gather [hbm4b:s3+s2], $0x80, v4, vm0, $0xb8;
	[tilespmem:$0xC180] =	vst v63  }
0x111: {  	s19 =	simm.s32 $0x9980  }
0x112: {  	[tilespmem:s19], [sflag:$0x1] =	stream.indirect_vreg.gather [hbm4b:s5+s2], $0x80, v4, vm1, $0xb8;
	[tilespmem:$0xC180] =	vst v63  }
0x113: {  	s19 =	simm.s32 $0x9D80  }
0x114: {  	[tilespmem:s19], [sflag:$0x1] =	stream.indirect_vreg.gather [hbm4b:s3+s2], $0x80, v3, vm0, $0xb8;
	[tilespmem:$0xC180] =	vst v63  }
0x115: {  	s19 =	simm.s32 $0xA580  }
0x116: {  	[tilespmem:s19], [sflag:$0x1] =	stream.indirect_vreg.gather [hbm4b:s5+s2], $0x80, v3, vm1, $0xb8;
	[tilespmem:$0xC180] =	vst v63  }
0x117: {  	v3 =	vld [tilespmem:$0xF0];
	_ =	sdelay $0x4  }
0x118: {  	v55 =	vshrl.u32 v3, $0x3  }
0x119: {  	v4 =	vmul.u32 $0x18, v55  }
0x11a: {  	v3 =	vand.u32 $0x7, v3  }
0x11b: {  	v3 =	vor.u32 v3, v4  }
0x11c: {  	v4 =	vperm.xlane v3, v0;
	_ =	sdelay $0x1  }
0x11d: {  	v4 =	vadd.s32 v1, v4;
	_ =	sdelay $0x1  }
0x11e: {  	v3 =	vperm.xlane v3, v2;
	_ =	sdelay $0x1  }
0x11f: {  	s19 =	simm.s32 $0xA980;
	v3 =	vadd.s32 v1, v3  }
0x120: {  	[tilespmem:s19], [sflag:$0x1] =	stream.indirect_vreg.gather [hbm4b:s3+s2], $0x80, v4, vm0, $0xb8;
	[tilespmem:$0xC180] =	vst v63  }
0x121: {  	s19 =	simm.s32 $0xB180  }
0x122: {  	[tilespmem:s19], [sflag:$0x1] =	stream.indirect_vreg.gather [hbm4b:s5+s2], $0x80, v4, vm1, $0xb8;
	[tilespmem:$0xC180] =	vst v63  }
0x123: {  	s19 =	simm.s32 $0xB580  }
0x124: {  	[tilespmem:s19], [sflag:$0x1] =	stream.indirect_vreg.gather [hbm4b:s3+s2], $0x80, v3, vm0, $0xb8;
	[tilespmem:$0xC180] =	vst v63  }
0x125: {  	s19 =	simm.s32 $0xBD80  }
0x126: {  	[tilespmem:s19], [sflag:$0x1] =	stream.indirect_vreg.gather [hbm4b:s5+s2], $0x80, v3, vm1, $0xb8;
	[tilespmem:$0xC180] =	vst v63  }
0x127: {  	_ =	swait.ge [sflag:s18], $0xC000  }
0x128: {  	[sflag:s18] =	ssyncset.done $0x0  }
0x129: {  	s19 =	rddreg [dreg:$0x6];
	[sflag:s18] =	ssyncadd.s32 $0xFFFF4000  }
0x12a: {  	[hbm4b:s19+s2] =	stream.linear.scatter [tilespmem:s0], [sflag:$0x2], $0xC000, $0x38;
	[tilespmem:$0xC180] =	vst v63  }
0x12b: {  	_ =	swait.ge [sflag:s8], $0xC000  }
0x12c: {  	[sflag:s8] =	ssyncset.done $0x0  }
0x12d: {  	[sflag:s8] =	ssyncadd.s32 $0xFFFF4000  }
0x12e: {  	v3 =	vld [tilespmem:$0x100];
	_ =	sdelay $0x4  }
0x12f: {  	v56 =	vshrl.u32 v3, $0x3  }
0x130: {  	v4 =	vmul.u32 $0x18, v56  }
0x131: {  	v3 =	vand.u32 $0x7, v3  }
0x132: {  	v3 =	vor.u32 v3, v4  }
0x133: {  	v4 =	vperm.xlane v3, v0;
	_ =	sdelay $0x1  }
0x134: {  	v4 =	vadd.s32 v1, v4;
	_ =	sdelay $0x1  }
0x135: {  	v3 =	vperm.xlane v3, v2;
	_ =	sdelay $0x1  }
0x136: {  	v3 =	vadd.s32 v1, v3  }
0x137: {  	[tilespmem:s0], [sflag:$0x1] =	stream.indirect_vreg.gather [hbm4b:s4+s2], $0x80, v4, vm0, $0xb8;
	[tilespmem:$0xC180] =	vst v63  }
0x138: {  	_ = 	snop  }
0x139: {  	[tilespmem:s20], [sflag:$0x1] =	stream.indirect_vreg.gather [hbm4b:s6+s2], $0x80, v4, vm1, $0xb8;
	[tilespmem:$0xC180] =	vst v63  }
0x13a: {  	_ = 	snop  }
0x13b: {  	[tilespmem:s21], [sflag:$0x1] =	stream.indirect_vreg.gather [hbm4b:s4+s2], $0x80, v3, vm0, $0xb8;
	[tilespmem:$0xC180] =	vst v63  }
0x13c: {  	_ = 	snop  }
0x13d: {  	[tilespmem:s22], [sflag:$0x1] =	stream.indirect_vreg.gather [hbm4b:s6+s2], $0x80, v3, vm1, $0xb8;
	[tilespmem:$0xC180] =	vst v63  }
0x13e: {  	v3 =	vld [tilespmem:$0x110];
	_ =	sdelay $0x4  }
0x13f: {  	v57 =	vshrl.u32 v3, $0x3  }
0x140: {  	v4 =	vmul.u32 $0x18, v57  }
0x141: {  	v3 =	vand.u32 $0x7, v3  }
0x142: {  	v3 =	vor.u32 v3, v4  }
0x143: {  	v4 =	vperm.xlane v3, v0;
	_ =	sdelay $0x1  }
0x144: {  	v4 =	vadd.s32 v1, v4;
	_ =	sdelay $0x1  }
0x145: {  	v3 =	vperm.xlane v3, v2;
	_ =	sdelay $0x1  }
0x146: {  	v3 =	vadd.s32 v1, v3  }
0x147: {  	[tilespmem:s23], [sflag:$0x1] =	stream.indirect_vreg.gather [hbm4b:s4+s2], $0x80, v4, vm0, $0xb8;
	[tilespmem:$0xC180] =	vst v63  }
0x148: {  	_ = 	snop  }
0x149: {  	[tilespmem:s24], [sflag:$0x1] =	stream.indirect_vreg.gather [hbm4b:s6+s2], $0x80, v4, vm1, $0xb8;
	[tilespmem:$0xC180] =	vst v63  }
0x14a: {  	_ = 	snop  }
0x14b: {  	[tilespmem:s25], [sflag:$0x1] =	stream.indirect_vreg.gather [hbm4b:s4+s2], $0x80, v3, vm0, $0xb8;
	[tilespmem:$0xC180] =	vst v63  }
0x14c: {  	_ = 	snop  }
0x14d: {  	[tilespmem:s26], [sflag:$0x1] =	stream.indirect_vreg.gather [hbm4b:s6+s2], $0x80, v3, vm1, $0xb8;
	[tilespmem:$0xC180] =	vst v63  }
0x14e: {  	v3 =	vld [tilespmem:$0x120];
	_ =	sdelay $0x4  }
0x14f: {  	v58 =	vshrl.u32 v3, $0x3  }
0x150: {  	v4 =	vmul.u32 $0x18, v58  }
0x151: {  	v3 =	vand.u32 $0x7, v3  }
0x152: {  	v3 =	vor.u32 v3, v4  }
0x153: {  	v4 =	vperm.xlane v3, v0;
	_ =	sdelay $0x1  }
0x154: {  	v4 =	vadd.s32 v1, v4;
	_ =	sdelay $0x1  }
0x155: {  	v3 =	vperm.xlane v3, v2;
	_ =	sdelay $0x1  }
0x156: {  	v3 =	vadd.s32 v1, v3  }
0x157: {  	[tilespmem:s28], [sflag:$0x1] =	stream.indirect_vreg.gather [hbm4b:s4+s2], $0x80, v4, vm0, $0xb8;
	[tilespmem:$0xC180] =	vst v63  }
0x158: {  	_ = 	snop  }
0x159: {  	[tilespmem:s29], [sflag:$0x1] =	stream.indirect_vreg.gather [hbm4b:s6+s2], $0x80, v4, vm1, $0xb8;
	[tilespmem:$0xC180] =	vst v63  }
0x15a: {  	_ = 	snop  }
0x15b: {  	[tilespmem:s30], [sflag:$0x1] =	stream.indirect_vreg.gather [hbm4b:s4+s2], $0x80, v3, vm0, $0xb8;
	[tilespmem:$0xC180] =	vst v63  }
0x15c: {  	_ = 	snop  }
0x15d: {  	[tilespmem:s31], [sflag:$0x1] =	stream.indirect_vreg.gather [hbm4b:s6+s2], $0x80, v3, vm1, $0xb8;
	[tilespmem:$0xC180] =	vst v63  }
0x15e: {  	v3 =	vld [tilespmem:$0x130];
	_ =	sdelay $0x4  }
0x15f: {  	v59 =	vshrl.u32 v3, $0x3  }
0x160: {  	v4 =	vmul.u32 $0x18, v59  }
0x161: {  	v3 =	vand.u32 $0x7, v3  }
0x162: {  	v3 =	vor.u32 v3, v4  }
0x163: {  	v4 =	vperm.xlane v3, v0;
	_ =	sdelay $0x1  }
0x164: {  	v4 =	vadd.s32 v1, v4;
	_ =	sdelay $0x1  }
0x165: {  	v3 =	vperm.xlane v3, v2;
	_ =	sdelay $0x1  }
0x166: {  	s20 =	simm.s32 $0x4980;
	v3 =	vadd.s32 v1, v3  }
0x167: {  	[tilespmem:s20], [sflag:$0x1] =	stream.indirect_vreg.gather [hbm4b:s4+s2], $0x80, v4, vm0, $0xb8;
	[tilespmem:$0xC180] =	vst v63  }
0x168: {  	_ = 	snop  }
0x169: {  	[tilespmem:s1], [sflag:$0x1] =	stream.indirect_vreg.gather [hbm4b:s6+s2], $0x80, v4, vm1, $0xb8;
	[tilespmem:$0xC180] =	vst v63  }
0x16a: {  	_ = 	snop  }
0x16b: {  	[tilespmem:s10], [sflag:$0x1] =	stream.indirect_vreg.gather [hbm4b:s4+s2], $0x80, v3, vm0, $0xb8;
	[tilespmem:$0xC180] =	vst v63  }
0x16c: {  	_ = 	snop  }
0x16d: {  	[tilespmem:s11], [sflag:$0x1] =	stream.indirect_vreg.gather [hbm4b:s6+s2], $0x80, v3, vm1, $0xb8;
	[tilespmem:$0xC180] =	vst v63  }
0x16e: {  	v3 =	vld [tilespmem:$0x140];
	_ =	sdelay $0x4  }
0x16f: {  	v60 =	vshrl.u32 v3, $0x3  }
0x170: {  	v4 =	vmul.u32 $0x18, v60  }
0x171: {  	v3 =	vand.u32 $0x7, v3  }
0x172: {  	v3 =	vor.u32 v3, v4  }
0x173: {  	v4 =	vperm.xlane v3, v0;
	_ =	sdelay $0x1  }
0x174: {  	v4 =	vadd.s32 v1, v4;
	_ =	sdelay $0x1  }
0x175: {  	v3 =	vperm.xlane v3, v2;
	_ =	sdelay $0x1  }
0x176: {  	v3 =	vadd.s32 v1, v3  }
0x177: {  	[tilespmem:s12], [sflag:$0x1] =	stream.indirect_vreg.gather [hbm4b:s4+s2], $0x80, v4, vm0, $0xb8;
	[tilespmem:$0xC180] =	vst v63  }
0x178: {  	_ = 	snop  }
0x179: {  	[tilespmem:s13], [sflag:$0x1] =	stream.indirect_vreg.gather [hbm4b:s6+s2], $0x80, v4, vm1, $0xb8;
	[tilespmem:$0xC180] =	vst v63  }
0x17a: {  	_ = 	snop  }
0x17b: {  	[tilespmem:s14], [sflag:$0x1] =	stream.indirect_vreg.gather [hbm4b:s4+s2], $0x80, v3, vm0, $0xb8;
	[tilespmem:$0xC180] =	vst v63  }
0x17c: {  	_ = 	snop  }
0x17d: {  	[tilespmem:s15], [sflag:$0x1] =	stream.indirect_vreg.gather [hbm4b:s6+s2], $0x80, v3, vm1, $0xb8;
	[tilespmem:$0xC180] =	vst v63  }
0x17e: {  	v3 =	vld [tilespmem:$0x150];
	_ =	sdelay $0x4  }
0x17f: {  	v61 =	vshrl.u32 v3, $0x3  }
0x180: {  	v4 =	vmul.u32 $0x18, v61  }
0x181: {  	v3 =	vand.u32 $0x7, v3  }
0x182: {  	v3 =	vor.u32 v3, v4  }
0x183: {  	v4 =	vperm.xlane v3, v0;
	_ =	sdelay $0x1  }
0x184: {  	v4 =	vadd.s32 v1, v4;
	_ =	sdelay $0x1  }
0x185: {  	v3 =	vperm.xlane v3, v2;
	_ =	sdelay $0x1  }
0x186: {  	v3 =	vadd.s32 v1, v3  }
0x187: {  	[tilespmem:s16], [sflag:$0x1] =	stream.indirect_vreg.gather [hbm4b:s4+s2], $0x80, v4, vm0, $0xb8;
	[tilespmem:$0xC180] =	vst v63  }
0x188: {  	_ = 	snop  }
0x189: {  	[tilespmem:s17], [sflag:$0x1] =	stream.indirect_vreg.gather [hbm4b:s6+s2], $0x80, v4, vm1, $0xb8;
	[tilespmem:$0xC180] =	vst v63  }
0x18a: {  	_ = 	snop  }
0x18b: {  	[tilespmem:s9], [sflag:$0x1] =	stream.indirect_vreg.gather [hbm4b:s4+s2], $0x80, v3, vm0, $0xb8;
	[tilespmem:$0xC180] =	vst v63  }
0x18c: {  	s19 =	simm.s32 $0x8D80  }
0x18d: {  	[tilespmem:s19], [sflag:$0x1] =	stream.indirect_vreg.gather [hbm4b:s6+s2], $0x80, v3, vm1, $0xb8;
	[tilespmem:$0xC180] =	vst v63  }
0x18e: {  	v3 =	vld [tilespmem:$0x160];
	_ =	sdelay $0x4  }
0x18f: {  	v62 =	vshrl.u32 v3, $0x3  }
0x190: {  	v4 =	vmul.u32 $0x18, v62  }
0x191: {  	v3 =	vand.u32 $0x7, v3  }
0x192: {  	v3 =	vor.u32 v3, v4  }
0x193: {  	v4 =	vperm.xlane v3, v0;
	_ =	sdelay $0x1  }
0x194: {  	v4 =	vadd.s32 v1, v4;
	_ =	sdelay $0x1  }
0x195: {  	v3 =	vperm.xlane v3, v2;
	_ =	sdelay $0x1  }
0x196: {  	s20 =	simm.s32 $0x9180;
	v3 =	vadd.s32 v1, v3  }
0x197: {  	[tilespmem:s20], [sflag:$0x1] =	stream.indirect_vreg.gather [hbm4b:s4+s2], $0x80, v4, vm0, $0xb8;
	[tilespmem:$0xC180] =	vst v63  }
0x198: {  	s19 =	simm.s32 $0x9980  }
0x199: {  	[tilespmem:s19], [sflag:$0x1] =	stream.indirect_vreg.gather [hbm4b:s6+s2], $0x80, v4, vm1, $0xb8;
	[tilespmem:$0xC180] =	vst v63  }
0x19a: {  	s20 =	simm.s32 $0x9D80  }
0x19b: {  	[tilespmem:s20], [sflag:$0x1] =	stream.indirect_vreg.gather [hbm4b:s4+s2], $0x80, v3, vm0, $0xb8;
	[tilespmem:$0xC180] =	vst v63  }
0x19c: {  	s19 =	simm.s32 $0xA580  }
0x19d: {  	[tilespmem:s19], [sflag:$0x1] =	stream.indirect_vreg.gather [hbm4b:s6+s2], $0x80, v3, vm1, $0xb8;
	[tilespmem:$0xC180] =	vst v63  }
0x19e: {  	v3 =	vld [tilespmem:$0x170];
	_ =	sdelay $0x4  }
0x19f: {  	v63 =	vshrl.u32 v3, $0x3  }
0x1a0: {  	v4 =	vmul.u32 $0x18, v63  }
0x1a1: {  	v3 =	vand.u32 $0x7, v3  }
0x1a2: {  	v3 =	vor.u32 v3, v4  }
0x1a3: {  	v4 =	vperm.xlane v3, v0;
	_ =	sdelay $0x1  }
0x1a4: {  	v4 =	vadd.s32 v1, v4;
	_ =	sdelay $0x1  }
0x1a5: {  	v3 =	vperm.xlane v3, v2;
	_ =	sdelay $0x1  }
0x1a6: {  	s20 =	simm.s32 $0xA980;
	v3 =	vadd.s32 v1, v3  }
0x1a7: {  	[tilespmem:s20], [sflag:$0x1] =	stream.indirect_vreg.gather [hbm4b:s4+s2], $0x80, v4, vm0, $0xb8;
	[tilespmem:$0xC180] =	vst v63  }
0x1a8: {  	s19 =	simm.s32 $0xB180  }
0x1a9: {  	[tilespmem:s19], [sflag:$0x1] =	stream.indirect_vreg.gather [hbm4b:s6+s2], $0x80, v4, vm1, $0xb8;
	[tilespmem:$0xC180] =	vst v63  }
0x1aa: {  	s20 =	simm.s32 $0xB580  }
0x1ab: {  	[tilespmem:s20], [sflag:$0x1] =	stream.indirect_vreg.gather [hbm4b:s4+s2], $0x80, v3, vm0, $0xb8;
	[tilespmem:$0xC180] =	vst v63  }
0x1ac: {  	s19 =	simm.s32 $0xBD80  }
0x1ad: {  	[tilespmem:s19], [sflag:$0x1] =	stream.indirect_vreg.gather [hbm4b:s6+s2], $0x80, v3, vm1, $0xb8;
	[tilespmem:$0xC180] =	vst v63  }
0x1ae: {  	_ =	swait.ge [sflag:s18], $0xC000  }
0x1af: {  	p0 =	sne.s32 s7, $0x1;
	[sflag:s18] =	ssyncset.done $0x0  }
.Ltmp0:
0x1b0: {  	s20 =	rddreg [dreg:$0x7];
	[sflag:s18] =	ssyncadd.s32 $0xFFFF4000;
	(pc) =	sbr.rel @p0 .LBB2_1-.Ltmp0, $4  }
0x1b1: {  	[hbm4b:s20+s2] =	stream.linear.scatter [tilespmem:s0], [sflag:$0x2], $0xC000, $0x38;
	[tilespmem:$0xC180] =	vst v63  }
0x1b2: {  	_ =	swait.ge [sflag:s8], $0xC000  }
0x1b3: {  	[sflag:s8] =	ssyncset.done $0x0  }
0x1b4: {  	s7 =	sadd.s32 $0xFFFFFFFF, s7;
	[sflag:s8] =	ssyncadd.s32 $0xFFFF4000  }
0x1b5: {  	_ =	sfence.sel $0x180000  }
0x1b6: {  	[bflag:$0x0] =	sbarrier.arrive $0xFFFF  }
0x1b7: {  	_ =	strace $0x90000047  }
0x1b8: {  	s0 =	stileid.u32;
	[bflag:$0x2] =	sbarrier.arrive $0xFFFF  }
0x1b9: {  	p0 =	sne.s32 s0, $0x0;
	s0 =	rddreg [dreg:$0x2]  }
0x1ba: {  	s0 =	sadd.s32 @!p0 $0x100000, s0  }
0x1bb: {  	[sflag:s0] =	ssyncadd.tile.s32 @!p0 $0x1;
	_ =	shalt  }
.Lfunc_end2:
_tile_overlayer_lowered:
.L_overlay_start_2:
0x1bc: {  	(tag) =	ssettag $0x2  }
0x1bd: {  	s0 =	rddreg [dreg:$0x0];
	s2 =	stileid.u32  }
0x1be: {  	s1 =	rddreg [dreg:$0x1];
	p0 =	sne.s32 s2, $0x0  }
0x1bf: {  	s3 =	rddreg [dreg:$0x2];
	[bflag:$0x3] =	sbarrier.arrive $0xFFFF;
	s2 =	simm.s32 @!p0 $0x1C02  }
0x1c0: {  	[timem:s3], [sflag:s2] =	dma.local @!p0 [hbm:s0], s1  }
0x1c1: {  	s0 =	simm.s32 @!p0 $0x2  }
0x1c2: {  	_ =	swait.ge @!p0 [sflag:s0], s1  }
0x1c3: {  	s1 =	ssub.s32 @!p0 $0x0, s1;
	[sflag:s0] =	ssyncset.done @!p0 $0x0  }
0x1c4: {  	[sflag:s0] =	ssyncadd.s32 @!p0 s1  }
0x1c5: {  	[bflag:$0x3] =	sbarrier.arrive $0xFFFF  }
0x1c6: {  	_ =	shalt  }

</sc_bundles>
